<compile_context>
chip_gen: v7x
topology: tpu7x:2x2x1
jax: 0.10.2.dev20260603
libtpu: 0.0.44.dev20260713+nightly
codegen_flags: <defaults>
</compile_context>

<pallas_src>
import functools

import jax
import jax.numpy as jnp
from jax import lax
from jax.experimental import pallas as pl
from jax.experimental.pallas import tpu as pltpu
from jax.experimental.pallas import tpu_sc as plsc

BATCH = 4096
SEQ = 50
DIM = 128
NC = 2
NS = 16
NW = NC * NS
B_W = BATCH // NW
CH = 64
NCH = SEQ * B_W // CH
NB = 10
NGROUP = NCH // NB


def _emb_body(table_hbm, tok_hbm, out_hbm, idx_v, *rest):
    bufs = rest[:NB]
    gsems = rest[NB:2 * NB]
    wsems = rest[2 * NB:3 * NB]
    wid = lax.axis_index("s") * NC + lax.axis_index("c")
    col_base = wid * B_W
    pltpu.sync_copy(tok_hbm.at[pl.ds(0, SEQ), pl.ds(col_base, B_W)], idx_v)

    def gather_start(b, c):
        s = c // 2
        off = (c % 2) * CH
        pltpu.make_async_copy(table_hbm.at[idx_v.at[s, pl.ds(off, CH)]],
                              bufs[b], gsems[b]).start()

    def gather_wait(b):
        pltpu.make_async_copy(table_hbm.at[pl.ds(0, CH)], bufs[b], gsems[b]).wait()

    def wb_start(b, c):
        s = c // 2
        off = (c % 2) * CH
        pltpu.make_async_copy(bufs[b], out_hbm.at[s, pl.ds(col_base + off, CH)],
                              wsems[b]).start()

    def wb_wait(b):
        pltpu.make_async_copy(bufs[b], out_hbm.at[0, pl.ds(col_base, CH)],
                              wsems[b]).wait()

    for b in range(NB):
        gather_start(b, b)

    def body(g, carry):
        for b in range(NB):
            gather_wait(b)
            wb_start(b, g * NB + b)
        for b in range(NB):
            wb_wait(b)
            gather_start(b, (g + 1) * NB + b)
        return carry

    lax.fori_loop(0, NGROUP - 1, body, 0)

    for b in range(NB):
        gather_wait(b)
        wb_start(b, (NGROUP - 1) * NB + b)
    for b in range(NB):
        wb_wait(b)


@jax.jit
def _embedding_lookup(token_ids, embedding_matrix):
    tok_t = jnp.transpose(token_ids.astype(jnp.int32))
    mesh = plsc.VectorSubcoreMesh(core_axis_name="c", subcore_axis_name="s")
    run = functools.partial(
        pl.kernel,
        mesh=mesh,
        out_type=jax.ShapeDtypeStruct((SEQ, BATCH, DIM), jnp.float32),
        scratch_types=(
            [pltpu.VMEM((SEQ, B_W), jnp.int32)]
            + [pltpu.VMEM((CH, DIM), jnp.float32) for _ in range(NB)]
            + [pltpu.SemaphoreType.DMA for _ in range(2 * NB)]
        ),
    )(_emb_body)
    out = run(embedding_matrix, tok_t)
    return jnp.transpose(out, (1, 0, 2))


def kernel(token_ids, embedding_matrix):
    return _embedding_lookup(token_ids, embedding_matrix)

# --- scband reference (transcript-rebuilt; emitter-appended) ---
"""Pipeline reference for scband-embedding-32796370272397 (READ-ONLY COPY).

The authoritative reference and input builder live on the scoring server;
editing this copy changes nothing except your own understanding.
"""

import jax, jax.numpy as jnp
import numpy as np
from math import sqrt

NUM_EMBEDDINGS = 100000
EMBEDDING_DIM = 128

def setup_inputs(seed: int = 0) -> dict:
    key = jax.random.key(seed)
    k_idx, k_w = jax.random.split(key)
    token_ids = jax.random.randint(k_idx, (4096, 50), 0, NUM_EMBEDDINGS, dtype=jnp.int64 if jax.config.jax_enable_x64 else jnp.int32)
    std = 1.0 / sqrt(EMBEDDING_DIM)
    # truncated normal in [-3*std, 3*std]
    embedding_matrix = jax.random.truncated_normal(k_w, -3.0, 3.0, (NUM_EMBEDDINGS, EMBEDDING_DIM), dtype=jnp.float32) * std
    return {"token_ids": token_ids, "embedding_matrix": embedding_matrix}

def reference(token_ids, embedding_matrix):
    # Faithful translation of: return self.embedding_matrix[token_ids]
    return jnp.take(embedding_matrix, token_ids, axis=0)

if __name__ == "__main__":
    import jax
    _d = setup_inputs()
    print(jax.jit(kernel)(*tuple(_d.values())))

</pallas_src>

<mosaic_0001>
#map = affine_map<(d0, d1) -> (0, 0)>
#map1 = affine_map<(d0, d1) -> (0, 0, 0)>
module attributes {stable_mosaic.version = 14 : i64} {
  func.func @_emb_body(%arg0: i32, %arg1: i32, %arg2: memref<100000x128xf32, #tpu.memory_space<hbm>>, %arg3: memref<50x4096xi32, #tpu.memory_space<hbm>>, %arg4: memref<50x4096x128xf32, #tpu.memory_space<hbm>>, %arg5: memref<50x128xi32, #tpu.memory_space<vmem>>, %arg6: memref<64x128xf32, #tpu.memory_space<vmem>>, %arg7: memref<64x128xf32, #tpu.memory_space<vmem>>, %arg8: memref<64x128xf32, #tpu.memory_space<vmem>>, %arg9: memref<64x128xf32, #tpu.memory_space<vmem>>, %arg10: memref<64x128xf32, #tpu.memory_space<vmem>>, %arg11: memref<64x128xf32, #tpu.memory_space<vmem>>, %arg12: memref<64x128xf32, #tpu.memory_space<vmem>>, %arg13: memref<64x128xf32, #tpu.memory_space<vmem>>, %arg14: memref<64x128xf32, #tpu.memory_space<vmem>>, %arg15: memref<64x128xf32, #tpu.memory_space<vmem>>, %arg16: memref<!tpu.dma_semaphore, #tpu.memory_space<semaphore_mem>>, %arg17: memref<!tpu.dma_semaphore, #tpu.memory_space<semaphore_mem>>, %arg18: memref<!tpu.dma_semaphore, #tpu.memory_space<semaphore_mem>>, %arg19: memref<!tpu.dma_semaphore, #tpu.memory_space<semaphore_mem>>, %arg20: memref<!tpu.dma_semaphore, #tpu.memory_space<semaphore_mem>>, %arg21: memref<!tpu.dma_semaphore, #tpu.memory_space<semaphore_mem>>, %arg22: memref<!tpu.dma_semaphore, #tpu.memory_space<semaphore_mem>>, %arg23: memref<!tpu.dma_semaphore, #tpu.memory_space<semaphore_mem>>, %arg24: memref<!tpu.dma_semaphore, #tpu.memory_space<semaphore_mem>>, %arg25: memref<!tpu.dma_semaphore, #tpu.memory_space<semaphore_mem>>, %arg26: memref<!tpu.dma_semaphore, #tpu.memory_space<semaphore_mem>>, %arg27: memref<!tpu.dma_semaphore, #tpu.memory_space<semaphore_mem>>, %arg28: memref<!tpu.dma_semaphore, #tpu.memory_space<semaphore_mem>>, %arg29: memref<!tpu.dma_semaphore, #tpu.memory_space<semaphore_mem>>, %arg30: memref<!tpu.dma_semaphore, #tpu.memory_space<semaphore_mem>>, %arg31: memref<!tpu.dma_semaphore, #tpu.memory_space<semaphore_mem>>, %arg32: memref<!tpu.dma_semaphore, #tpu.memory_space<semaphore_mem>>, %arg33: memref<!tpu.dma_semaphore, #tpu.memory_space<semaphore_mem>>, %arg34: memref<!tpu.dma_semaphore, #tpu.memory_space<semaphore_mem>>, %arg35: memref<!tpu.dma_semaphore, #tpu.memory_space<semaphore_mem>>) attributes {dimension_semantics = [#tpu.dimension_semantics<core_parallel>, #tpu.dimension_semantics<subcore_parallel>], iteration_bounds = array<i64: 2, 16>, scalar_prefetch = 0 : i64, scratch_operands = 31 : i64, tpu.core_type = #tpu.core_type<sc_vector_subcore>, window_params = [{transform_indices = #map}, {transform_indices = #map}, {transform_indices = #map1}]} {
    %mul3A = arith.constant 2 : i32
    %mul3A_0 = arith.muli %arg1, %mul3A : i32
    %add3A = arith.addi %mul3A_0, %arg0 : i32
    %mul3A_1 = arith.constant 128 : i32
    %mul3A_2 = arith.muli %add3A, %mul3A_1 : i32
    "tpu.region"() ({
      %run_scoped3A = tpu.sem_alloc : memref<!tpu.dma_semaphore, #tpu.memory_space<semaphore_mem>>
      %dma_start3A_296 = arith.constant 0 : i32
      %dma_start3A_297 = tpu.memref_slice %arg3[%dma_start3A_296, %mul3A_2] : memref<50x4096xi32, #tpu.memory_space<hbm>> -> memref<50x128xi32, #tpu.memory_space<hbm>>
      %dma_start3A_298 = arith.constant 0 : i32
      %dma_start3A_299 = tpu.memref_slice %arg3[%dma_start3A_298, %mul3A_2] : memref<50x4096xi32, #tpu.memory_space<hbm>> -> memref<50x128xi32, #tpu.memory_space<hbm>>
      tpu.enqueue_dma source(%dma_start3A_299 : memref<50x128xi32, #tpu.memory_space<hbm>>) target(%arg5 : memref<50x128xi32, #tpu.memory_space<vmem>>) target_semaphore(%run_scoped3A : memref<!tpu.dma_semaphore, #tpu.memory_space<semaphore_mem>>)
      %dma_wait3A_300 = arith.constant 0 : i32
      %dma_wait3A_301 = tpu.memref_slice %arg3[%dma_wait3A_300, %mul3A_2] : memref<50x4096xi32, #tpu.memory_space<hbm>> -> memref<50x128xi32, #tpu.memory_space<hbm>>
      %dma_wait3A_302 = arith.constant 0 : i32
      %dma_wait3A_303 = tpu.memref_slice %arg3[%dma_wait3A_302, %mul3A_2] : memref<50x4096xi32, #tpu.memory_space<hbm>> -> memref<50x128xi32, #tpu.memory_space<hbm>>
      tpu.wait_dma2 semaphore(%run_scoped3A : memref<!tpu.dma_semaphore, #tpu.memory_space<semaphore_mem>>) src(%dma_wait3A_303 : memref<50x128xi32, #tpu.memory_space<hbm>>) dst(%arg5 : memref<50x128xi32, #tpu.memory_space<vmem>>)
      tpu.yield
    }) : () -> ()
    %dma_start3A = arith.constant 0 : i32
    %dma_start3A_3 = arith.constant 0 : i32
    %dma_start3A_4 = tpu.memref_slice %arg5[%dma_start3A, %dma_start3A_3] : memref<50x128xi32, #tpu.memory_space<vmem>> -> memref<1x64xi32, #tpu.memory_space<vmem>>
    %dma_start3A_5 = tpu.memref_squeeze %dma_start3A_4 : memref<1x64xi32, #tpu.memory_space<vmem>> -> memref<64xi32, #tpu.memory_space<vmem>>
    %dma_start3A_6 = arith.constant 0 : i32
    %dma_start3A_7 = arith.constant 0 : i32
    %dma_start3A_8 = tpu.memref_slice %arg2[%dma_start3A_6, %dma_start3A_7] : memref<100000x128xf32, #tpu.memory_space<hbm>> -> memref<100000x128xf32, #tpu.memory_space<hbm>>
    tpu.enqueue_indirect_dma source(%dma_start3A_8 : memref<100000x128xf32, #tpu.memory_space<hbm>>) target(%arg6 : memref<64x128xf32, #tpu.memory_space<vmem>>) offsets(%dma_start3A_5 : memref<64xi32, #tpu.memory_space<vmem>>) semaphore(%arg16 : memref<!tpu.dma_semaphore, #tpu.memory_space<semaphore_mem>>)
    %dma_start3A_9 = arith.constant 0 : i32
    %dma_start3A_10 = arith.constant 64 : i32
    %dma_start3A_11 = tpu.memref_slice %arg5[%dma_start3A_9, %dma_start3A_10] : memref<50x128xi32, #tpu.memory_space<vmem>> -> memref<1x64xi32, #tpu.memory_space<vmem>>
    %dma_start3A_12 = tpu.memref_squeeze %dma_start3A_11 : memref<1x64xi32, #tpu.memory_space<vmem>> -> memref<64xi32, #tpu.memory_space<vmem>>
    %dma_start3A_13 = arith.constant 0 : i32
    %dma_start3A_14 = arith.constant 0 : i32
    %dma_start3A_15 = tpu.memref_slice %arg2[%dma_start3A_13, %dma_start3A_14] : memref<100000x128xf32, #tpu.memory_space<hbm>> -> memref<100000x128xf32, #tpu.memory_space<hbm>>
    tpu.enqueue_indirect_dma source(%dma_start3A_15 : memref<100000x128xf32, #tpu.memory_space<hbm>>) target(%arg7 : memref<64x128xf32, #tpu.memory_space<vmem>>) offsets(%dma_start3A_12 : memref<64xi32, #tpu.memory_space<vmem>>) semaphore(%arg17 : memref<!tpu.dma_semaphore, #tpu.memory_space<semaphore_mem>>)
    %dma_start3A_16 = arith.constant 1 : i32
    %dma_start3A_17 = arith.constant 0 : i32
    %dma_start3A_18 = tpu.memref_slice %arg5[%dma_start3A_16, %dma_start3A_17] : memref<50x128xi32, #tpu.memory_space<vmem>> -> memref<1x64xi32, #tpu.memory_space<vmem>>
    %dma_start3A_19 = tpu.memref_squeeze %dma_start3A_18 : memref<1x64xi32, #tpu.memory_space<vmem>> -> memref<64xi32, #tpu.memory_space<vmem>>
    %dma_start3A_20 = arith.constant 0 : i32
    %dma_start3A_21 = arith.constant 0 : i32
    %dma_start3A_22 = tpu.memref_slice %arg2[%dma_start3A_20, %dma_start3A_21] : memref<100000x128xf32, #tpu.memory_space<hbm>> -> memref<100000x128xf32, #tpu.memory_space<hbm>>
    tpu.enqueue_indirect_dma source(%dma_start3A_22 : memref<100000x128xf32, #tpu.memory_space<hbm>>) target(%arg8 : memref<64x128xf32, #tpu.memory_space<vmem>>) offsets(%dma_start3A_19 : memref<64xi32, #tpu.memory_space<vmem>>) semaphore(%arg18 : memref<!tpu.dma_semaphore, #tpu.memory_space<semaphore_mem>>)
    %dma_start3A_23 = arith.constant 1 : i32
    %dma_start3A_24 = arith.constant 64 : i32
    %dma_start3A_25 = tpu.memref_slice %arg5[%dma_start3A_23, %dma_start3A_24] : memref<50x128xi32, #tpu.memory_space<vmem>> -> memref<1x64xi32, #tpu.memory_space<vmem>>
    %dma_start3A_26 = tpu.memref_squeeze %dma_start3A_25 : memref<1x64xi32, #tpu.memory_space<vmem>> -> memref<64xi32, #tpu.memory_space<vmem>>
    %dma_start3A_27 = arith.constant 0 : i32
    %dma_start3A_28 = arith.constant 0 : i32
    %dma_start3A_29 = tpu.memref_slice %arg2[%dma_start3A_27, %dma_start3A_28] : memref<100000x128xf32, #tpu.memory_space<hbm>> -> memref<100000x128xf32, #tpu.memory_space<hbm>>
    tpu.enqueue_indirect_dma source(%dma_start3A_29 : memref<100000x128xf32, #tpu.memory_space<hbm>>) target(%arg9 : memref<64x128xf32, #tpu.memory_space<vmem>>) offsets(%dma_start3A_26 : memref<64xi32, #tpu.memory_space<vmem>>) semaphore(%arg19 : memref<!tpu.dma_semaphore, #tpu.memory_space<semaphore_mem>>)
    %dma_start3A_30 = arith.constant 2 : i32
    %dma_start3A_31 = arith.constant 0 : i32
    %dma_start3A_32 = tpu.memref_slice %arg5[%dma_start3A_30, %dma_start3A_31] : memref<50x128xi32, #tpu.memory_space<vmem>> -> memref<1x64xi32, #tpu.memory_space<vmem>>
    %dma_start3A_33 = tpu.memref_squeeze %dma_start3A_32 : memref<1x64xi32, #tpu.memory_space<vmem>> -> memref<64xi32, #tpu.memory_space<vmem>>
    %dma_start3A_34 = arith.constant 0 : i32
    %dma_start3A_35 = arith.constant 0 : i32
    %dma_start3A_36 = tpu.memref_slice %arg2[%dma_start3A_34, %dma_start3A_35] : memref<100000x128xf32, #tpu.memory_space<hbm>> -> memref<100000x128xf32, #tpu.memory_space<hbm>>
    tpu.enqueue_indirect_dma source(%dma_start3A_36 : memref<100000x128xf32, #tpu.memory_space<hbm>>) target(%arg10 : memref<64x128xf32, #tpu.memory_space<vmem>>) offsets(%dma_start3A_33 : memref<64xi32, #tpu.memory_space<vmem>>) semaphore(%arg20 : memref<!tpu.dma_semaphore, #tpu.memory_space<semaphore_mem>>)
    %dma_start3A_37 = arith.constant 2 : i32
    %dma_start3A_38 = arith.constant 64 : i32
    %dma_start3A_39 = tpu.memref_slice %arg5[%dma_start3A_37, %dma_start3A_38] : memref<50x128xi32, #tpu.memory_space<vmem>> -> memref<1x64xi32, #tpu.memory_space<vmem>>
    %dma_start3A_40 = tpu.memref_squeeze %dma_start3A_39 : memref<1x64xi32, #tpu.memory_space<vmem>> -> memref<64xi32, #tpu.memory_space<vmem>>
    %dma_start3A_41 = arith.constant 0 : i32
    %dma_start3A_42 = arith.constant 0 : i32
    %dma_start3A_43 = tpu.memref_slice %arg2[%dma_start3A_41, %dma_start3A_42] : memref<100000x128xf32, #tpu.memory_space<hbm>> -> memref<100000x128xf32, #tpu.memory_space<hbm>>
    tpu.enqueue_indirect_dma source(%dma_start3A_43 : memref<100000x128xf32, #tpu.memory_space<hbm>>) target(%arg11 : memref<64x128xf32, #tpu.memory_space<vmem>>) offsets(%dma_start3A_40 : memref<64xi32, #tpu.memory_space<vmem>>) semaphore(%arg21 : memref<!tpu.dma_semaphore, #tpu.memory_space<semaphore_mem>>)
    %dma_start3A_44 = arith.constant 3 : i32
    %dma_start3A_45 = arith.constant 0 : i32
    %dma_start3A_46 = tpu.memref_slice %arg5[%dma_start3A_44, %dma_start3A_45] : memref<50x128xi32, #tpu.memory_space<vmem>> -> memref<1x64xi32, #tpu.memory_space<vmem>>
    %dma_start3A_47 = tpu.memref_squeeze %dma_start3A_46 : memref<1x64xi32, #tpu.memory_space<vmem>> -> memref<64xi32, #tpu.memory_space<vmem>>
    %dma_start3A_48 = arith.constant 0 : i32
    %dma_start3A_49 = arith.constant 0 : i32
    %dma_start3A_50 = tpu.memref_slice %arg2[%dma_start3A_48, %dma_start3A_49] : memref<100000x128xf32, #tpu.memory_space<hbm>> -> memref<100000x128xf32, #tpu.memory_space<hbm>>
    tpu.enqueue_indirect_dma source(%dma_start3A_50 : memref<100000x128xf32, #tpu.memory_space<hbm>>) target(%arg12 : memref<64x128xf32, #tpu.memory_space<vmem>>) offsets(%dma_start3A_47 : memref<64xi32, #tpu.memory_space<vmem>>) semaphore(%arg22 : memref<!tpu.dma_semaphore, #tpu.memory_space<semaphore_mem>>)
    %dma_start3A_51 = arith.constant 3 : i32
    %dma_start3A_52 = arith.constant 64 : i32
    %dma_start3A_53 = tpu.memref_slice %arg5[%dma_start3A_51, %dma_start3A_52] : memref<50x128xi32, #tpu.memory_space<vmem>> -> memref<1x64xi32, #tpu.memory_space<vmem>>
    %dma_start3A_54 = tpu.memref_squeeze %dma_start3A_53 : memref<1x64xi32, #tpu.memory_space<vmem>> -> memref<64xi32, #tpu.memory_space<vmem>>
    %dma_start3A_55 = arith.constant 0 : i32
    %dma_start3A_56 = arith.constant 0 : i32
    %dma_start3A_57 = tpu.memref_slice %arg2[%dma_start3A_55, %dma_start3A_56] : memref<100000x128xf32, #tpu.memory_space<hbm>> -> memref<100000x128xf32, #tpu.memory_space<hbm>>
    tpu.enqueue_indirect_dma source(%dma_start3A_57 : memref<100000x128xf32, #tpu.memory_space<hbm>>) target(%arg13 : memref<64x128xf32, #tpu.memory_space<vmem>>) offsets(%dma_start3A_54 : memref<64xi32, #tpu.memory_space<vmem>>) semaphore(%arg23 : memref<!tpu.dma_semaphore, #tpu.memory_space<semaphore_mem>>)
    %dma_start3A_58 = arith.constant 4 : i32
    %dma_start3A_59 = arith.constant 0 : i32
    %dma_start3A_60 = tpu.memref_slice %arg5[%dma_start3A_58, %dma_start3A_59] : memref<50x128xi32, #tpu.memory_space<vmem>> -> memref<1x64xi32, #tpu.memory_space<vmem>>
    %dma_start3A_61 = tpu.memref_squeeze %dma_start3A_60 : memref<1x64xi32, #tpu.memory_space<vmem>> -> memref<64xi32, #tpu.memory_space<vmem>>
    %dma_start3A_62 = arith.constant 0 : i32
    %dma_start3A_63 = arith.constant 0 : i32
    %dma_start3A_64 = tpu.memref_slice %arg2[%dma_start3A_62, %dma_start3A_63] : memref<100000x128xf32, #tpu.memory_space<hbm>> -> memref<100000x128xf32, #tpu.memory_space<hbm>>
    tpu.enqueue_indirect_dma source(%dma_start3A_64 : memref<100000x128xf32, #tpu.memory_space<hbm>>) target(%arg14 : memref<64x128xf32, #tpu.memory_space<vmem>>) offsets(%dma_start3A_61 : memref<64xi32, #tpu.memory_space<vmem>>) semaphore(%arg24 : memref<!tpu.dma_semaphore, #tpu.memory_space<semaphore_mem>>)
    %dma_start3A_65 = arith.constant 4 : i32
    %dma_start3A_66 = arith.constant 64 : i32
    %dma_start3A_67 = tpu.memref_slice %arg5[%dma_start3A_65, %dma_start3A_66] : memref<50x128xi32, #tpu.memory_space<vmem>> -> memref<1x64xi32, #tpu.memory_space<vmem>>
    %dma_start3A_68 = tpu.memref_squeeze %dma_start3A_67 : memref<1x64xi32, #tpu.memory_space<vmem>> -> memref<64xi32, #tpu.memory_space<vmem>>
    %dma_start3A_69 = arith.constant 0 : i32
    %dma_start3A_70 = arith.constant 0 : i32
    %dma_start3A_71 = tpu.memref_slice %arg2[%dma_start3A_69, %dma_start3A_70] : memref<100000x128xf32, #tpu.memory_space<hbm>> -> memref<100000x128xf32, #tpu.memory_space<hbm>>
    tpu.enqueue_indirect_dma source(%dma_start3A_71 : memref<100000x128xf32, #tpu.memory_space<hbm>>) target(%arg15 : memref<64x128xf32, #tpu.memory_space<vmem>>) offsets(%dma_start3A_68 : memref<64xi32, #tpu.memory_space<vmem>>) semaphore(%arg25 : memref<!tpu.dma_semaphore, #tpu.memory_space<semaphore_mem>>)
    %scan3A = arith.constant 0 : i32
    %scan3A_72 = arith.constant 0 : i32
    %scan3A_73 = arith.constant 9 : i32
    %scan3A_74 = arith.addi %scan3A_72, %scan3A_73 : i32
    %scan3A_75 = arith.constant 1 : i32
    scf.for %scan3A_296 = %scan3A_72 to %scan3A_74 step %scan3A_75  : i32 {
      %dma_wait3A_297 = arith.constant 0 : i32
      %dma_wait3A_298 = arith.constant 0 : i32
      %dma_wait3A_299 = tpu.memref_slice %arg2[%dma_wait3A_297, %dma_wait3A_298] : memref<100000x128xf32, #tpu.memory_space<hbm>> -> memref<64x128xf32, #tpu.memory_space<hbm>>
      %dma_wait3A_300 = arith.constant 0 : i32
      %dma_wait3A_301 = arith.constant 0 : i32
      %dma_wait3A_302 = tpu.memref_slice %arg2[%dma_wait3A_300, %dma_wait3A_301] : memref<100000x128xf32, #tpu.memory_space<hbm>> -> memref<64x128xf32, #tpu.memory_space<hbm>>
      tpu.wait_dma2 semaphore(%arg16 : memref<!tpu.dma_semaphore, #tpu.memory_space<semaphore_mem>>) src(%dma_wait3A_302 : memref<64x128xf32, #tpu.memory_space<hbm>>) dst(%arg6 : memref<64x128xf32, #tpu.memory_space<vmem>>)
      %mul3A_303 = arith.constant 10 : i32
      %mul3A_304 = arith.muli %scan3A_296, %mul3A_303 : i32
      %add3A_305 = arith.constant 0 : i32
      %add3A_306 = arith.addi %mul3A_304, %add3A_305 : i32
      %jit3A = arith.constant 2 : i32
      %div3A = arith.divsi %add3A_306, %jit3A : i32
      %sign3A = arith.constant 0 : i32
      %sign3A_307 = arith.cmpi sgt, %add3A_306, %sign3A : i32
      %sign3A_308 = arith.extui %sign3A_307 : i1 to i32
      %sign3A_309 = arith.constant 0 : i32
      %sign3A_310 = arith.cmpi slt, %add3A_306, %sign3A_309 : i32
      %sign3A_311 = arith.extui %sign3A_310 : i1 to i32
      %sign3A_312 = arith.subi %sign3A_308, %sign3A_311 : i32
      %sign3A_313 = arith.constant 0 : i32
      %sign3A_314 = arith.cmpi sgt, %jit3A, %sign3A_313 : i32
      %sign3A_315 = arith.extui %sign3A_314 : i1 to i32
      %sign3A_316 = arith.constant 0 : i32
      %sign3A_317 = arith.cmpi slt, %jit3A, %sign3A_316 : i32
      %sign3A_318 = arith.extui %sign3A_317 : i1 to i32
      %sign3A_319 = arith.subi %sign3A_315, %sign3A_318 : i32
      %ne3A = arith.cmpi ne, %sign3A_312, %sign3A_319 : i32
      %rem3A = arith.remsi %add3A_306, %jit3A : i32
      %ne3A_320 = arith.constant 0 : i32
      %ne3A_321 = arith.cmpi ne, %rem3A, %ne3A_320 : i32
      %and3A = arith.andi %ne3A, %ne3A_321 : i1
      %sub3A = arith.constant 1 : i32
      %sub3A_322 = arith.subi %div3A, %sub3A : i32
      %select_n3A = arith.select %and3A, %sub3A_322, %div3A : i32
      %jit3A_323 = arith.constant 2 : i32
      %eq3A = arith.constant 0 : i32
      %eq3A_324 = arith.cmpi eq, %jit3A_323, %eq3A : i32
      %jit3A_325 = arith.constant 1 : i32
      %select_n3A_326 = arith.select %eq3A_324, %jit3A_325, %jit3A_323 : i32
      %rem3A_327 = arith.remsi %add3A_306, %select_n3A_326 : i32
      %ne3A_328 = arith.constant 0 : i32
      %ne3A_329 = arith.cmpi ne, %rem3A_327, %ne3A_328 : i32
      %lt3A = arith.constant 0 : i32
      %lt3A_330 = arith.cmpi slt, %rem3A_327, %lt3A : i32
      %lt3A_331 = arith.constant 0 : i32
      %lt3A_332 = arith.cmpi slt, %select_n3A_326, %lt3A_331 : i32
      %ne3A_333 = arith.xori %lt3A_330, %lt3A_332 : i1
      %and3A_334 = arith.andi %ne3A_333, %ne3A_329 : i1
      %add3A_335 = arith.addi %rem3A_327, %select_n3A_326 : i32
      %select_n3A_336 = arith.select %and3A_334, %add3A_335, %rem3A_327 : i32
      %mul3A_337 = arith.constant 64 : i32
      %mul3A_338 = arith.muli %select_n3A_336, %mul3A_337 : i32
      %add3A_339 = arith.addi %mul3A_2, %mul3A_338 : i32
      %dma_start3A_340 = arith.constant 0 : i32
      %dma_start3A_341 = tpu.memref_slice %arg4[%select_n3A, %add3A_339, %dma_start3A_340] : memref<50x4096x128xf32, #tpu.memory_space<hbm>> -> memref<1x64x128xf32, #tpu.memory_space<hbm>>
      %dma_start3A_342 = tpu.memref_squeeze %dma_start3A_341 : memref<1x64x128xf32, #tpu.memory_space<hbm>> -> memref<64x128xf32, #tpu.memory_space<hbm>>
      %dma_start3A_343 = arith.constant 0 : i32
      %dma_start3A_344 = tpu.memref_slice %arg4[%select_n3A, %add3A_339, %dma_start3A_343] : memref<50x4096x128xf32, #tpu.memory_space<hbm>> -> memref<1x64x128xf32, #tpu.memory_space<hbm>>
      %dma_start3A_345 = tpu.memref_squeeze %dma_start3A_344 : memref<1x64x128xf32, #tpu.memory_space<hbm>> -> memref<64x128xf32, #tpu.memory_space<hbm>>
      tpu.enqueue_dma source(%arg6 : memref<64x128xf32, #tpu.memory_space<vmem>>) target(%dma_start3A_345 : memref<64x128xf32, #tpu.memory_space<hbm>>) target_semaphore(%arg26 : memref<!tpu.dma_semaphore, #tpu.memory_space<semaphore_mem>>)
      %dma_wait3A_346 = arith.constant 0 : i32
      %dma_wait3A_347 = arith.constant 0 : i32
      %dma_wait3A_348 = tpu.memref_slice %arg2[%dma_wait3A_346, %dma_wait3A_347] : memref<100000x128xf32, #tpu.memory_space<hbm>> -> memref<64x128xf32, #tpu.memory_space<hbm>>
      %dma_wait3A_349 = arith.constant 0 : i32
      %dma_wait3A_350 = arith.constant 0 : i32
      %dma_wait3A_351 = tpu.memref_slice %arg2[%dma_wait3A_349, %dma_wait3A_350] : memref<100000x128xf32, #tpu.memory_space<hbm>> -> memref<64x128xf32, #tpu.memory_space<hbm>>
      tpu.wait_dma2 semaphore(%arg17 : memref<!tpu.dma_semaphore, #tpu.memory_space<semaphore_mem>>) src(%dma_wait3A_351 : memref<64x128xf32, #tpu.memory_space<hbm>>) dst(%arg7 : memref<64x128xf32, #tpu.memory_space<vmem>>)
      %mul3A_352 = arith.constant 10 : i32
      %mul3A_353 = arith.muli %scan3A_296, %mul3A_352 : i32
      %add3A_354 = arith.constant 1 : i32
      %add3A_355 = arith.addi %mul3A_353, %add3A_354 : i32
      %jit3A_356 = arith.constant 2 : i32
      %div3A_357 = arith.divsi %add3A_355, %jit3A_356 : i32
      %sign3A_358 = arith.constant 0 : i32
      %sign3A_359 = arith.cmpi sgt, %add3A_355, %sign3A_358 : i32
      %sign3A_360 = arith.extui %sign3A_359 : i1 to i32
      %sign3A_361 = arith.constant 0 : i32
      %sign3A_362 = arith.cmpi slt, %add3A_355, %sign3A_361 : i32
      %sign3A_363 = arith.extui %sign3A_362 : i1 to i32
      %sign3A_364 = arith.subi %sign3A_360, %sign3A_363 : i32
      %sign3A_365 = arith.constant 0 : i32
      %sign3A_366 = arith.cmpi sgt, %jit3A_356, %sign3A_365 : i32
      %sign3A_367 = arith.extui %sign3A_366 : i1 to i32
      %sign3A_368 = arith.constant 0 : i32
      %sign3A_369 = arith.cmpi slt, %jit3A_356, %sign3A_368 : i32
      %sign3A_370 = arith.extui %sign3A_369 : i1 to i32
      %sign3A_371 = arith.subi %sign3A_367, %sign3A_370 : i32
      %ne3A_372 = arith.cmpi ne, %sign3A_364, %sign3A_371 : i32
      %rem3A_373 = arith.remsi %add3A_355, %jit3A_356 : i32
      %ne3A_374 = arith.constant 0 : i32
      %ne3A_375 = arith.cmpi ne, %rem3A_373, %ne3A_374 : i32
      %and3A_376 = arith.andi %ne3A_372, %ne3A_375 : i1
      %sub3A_377 = arith.constant 1 : i32
      %sub3A_378 = arith.subi %div3A_357, %sub3A_377 : i32
      %select_n3A_379 = arith.select %and3A_376, %sub3A_378, %div3A_357 : i32
      %jit3A_380 = arith.constant 2 : i32
      %eq3A_381 = arith.constant 0 : i32
      %eq3A_382 = arith.cmpi eq, %jit3A_380, %eq3A_381 : i32
      %jit3A_383 = arith.constant 1 : i32
      %select_n3A_384 = arith.select %eq3A_382, %jit3A_383, %jit3A_380 : i32
      %rem3A_385 = arith.remsi %add3A_355, %select_n3A_384 : i32
      %ne3A_386 = arith.constant 0 : i32
      %ne3A_387 = arith.cmpi ne, %rem3A_385, %ne3A_386 : i32
      %lt3A_388 = arith.constant 0 : i32
      %lt3A_389 = arith.cmpi slt, %rem3A_385, %lt3A_388 : i32
      %lt3A_390 = arith.constant 0 : i32
      %lt3A_391 = arith.cmpi slt, %select_n3A_384, %lt3A_390 : i32
      %ne3A_392 = arith.xori %lt3A_389, %lt3A_391 : i1
      %and3A_393 = arith.andi %ne3A_392, %ne3A_387 : i1
      %add3A_394 = arith.addi %rem3A_385, %select_n3A_384 : i32
      %select_n3A_395 = arith.select %and3A_393, %add3A_394, %rem3A_385 : i32
      %mul3A_396 = arith.constant 64 : i32
      %mul3A_397 = arith.muli %select_n3A_395, %mul3A_396 : i32
      %add3A_398 = arith.addi %mul3A_2, %mul3A_397 : i32
      %dma_start3A_399 = arith.constant 0 : i32
      %dma_start3A_400 = tpu.memref_slice %arg4[%select_n3A_379, %add3A_398, %dma_start3A_399] : memref<50x4096x128xf32, #tpu.memory_space<hbm>> -> memref<1x64x128xf32, #tpu.memory_space<hbm>>
      %dma_start3A_401 = tpu.memref_squeeze %dma_start3A_400 : memref<1x64x128xf32, #tpu.memory_space<hbm>> -> memref<64x128xf32, #tpu.memory_space<hbm>>
      %dma_start3A_402 = arith.constant 0 : i32
      %dma_start3A_403 = tpu.memref_slice %arg4[%select_n3A_379, %add3A_398, %dma_start3A_402] : memref<50x4096x128xf32, #tpu.memory_space<hbm>> -> memref<1x64x128xf32, #tpu.memory_space<hbm>>
      %dma_start3A_404 = tpu.memref_squeeze %dma_start3A_403 : memref<1x64x128xf32, #tpu.memory_space<hbm>> -> memref<64x128xf32, #tpu.memory_space<hbm>>
      tpu.enqueue_dma source(%arg7 : memref<64x128xf32, #tpu.memory_space<vmem>>) target(%dma_start3A_404 : memref<64x128xf32, #tpu.memory_space<hbm>>) target_semaphore(%arg27 : memref<!tpu.dma_semaphore, #tpu.memory_space<semaphore_mem>>)
      %dma_wait3A_405 = arith.constant 0 : i32
      %dma_wait3A_406 = arith.constant 0 : i32
      %dma_wait3A_407 = tpu.memref_slice %arg2[%dma_wait3A_405, %dma_wait3A_406] : memref<100000x128xf32, #tpu.memory_space<hbm>> -> memref<64x128xf32, #tpu.memory_space<hbm>>
      %dma_wait3A_408 = arith.constant 0 : i32
      %dma_wait3A_409 = arith.constant 0 : i32
      %dma_wait3A_410 = tpu.memref_slice %arg2[%dma_wait3A_408, %dma_wait3A_409] : memref<100000x128xf32, #tpu.memory_space<hbm>> -> memref<64x128xf32, #tpu.memory_space<hbm>>
      tpu.wait_dma2 semaphore(%arg18 : memref<!tpu.dma_semaphore, #tpu.memory_space<semaphore_mem>>) src(%dma_wait3A_410 : memref<64x128xf32, #tpu.memory_space<hbm>>) dst(%arg8 : memref<64x128xf32, #tpu.memory_space<vmem>>)
      %mul3A_411 = arith.constant 10 : i32
      %mul3A_412 = arith.muli %scan3A_296, %mul3A_411 : i32
      %add3A_413 = arith.constant 2 : i32
      %add3A_414 = arith.addi %mul3A_412, %add3A_413 : i32
      %jit3A_415 = arith.constant 2 : i32
      %div3A_416 = arith.divsi %add3A_414, %jit3A_415 : i32
      %sign3A_417 = arith.constant 0 : i32
      %sign3A_418 = arith.cmpi sgt, %add3A_414, %sign3A_417 : i32
      %sign3A_419 = arith.extui %sign3A_418 : i1 to i32
      %sign3A_420 = arith.constant 0 : i32
      %sign3A_421 = arith.cmpi slt, %add3A_414, %sign3A_420 : i32
      %sign3A_422 = arith.extui %sign3A_421 : i1 to i32
      %sign3A_423 = arith.subi %sign3A_419, %sign3A_422 : i32
      %sign3A_424 = arith.constant 0 : i32
      %sign3A_425 = arith.cmpi sgt, %jit3A_415, %sign3A_424 : i32
      %sign3A_426 = arith.extui %sign3A_425 : i1 to i32
      %sign3A_427 = arith.constant 0 : i32
      %sign3A_428 = arith.cmpi slt, %jit3A_415, %sign3A_427 : i32
      %sign3A_429 = arith.extui %sign3A_428 : i1 to i32
      %sign3A_430 = arith.subi %sign3A_426, %sign3A_429 : i32
      %ne3A_431 = arith.cmpi ne, %sign3A_423, %sign3A_430 : i32
      %rem3A_432 = arith.remsi %add3A_414, %jit3A_415 : i32
      %ne3A_433 = arith.constant 0 : i32
      %ne3A_434 = arith.cmpi ne, %rem3A_432, %ne3A_433 : i32
      %and3A_435 = arith.andi %ne3A_431, %ne3A_434 : i1
      %sub3A_436 = arith.constant 1 : i32
      %sub3A_437 = arith.subi %div3A_416, %sub3A_436 : i32
      %select_n3A_438 = arith.select %and3A_435, %sub3A_437, %div3A_416 : i32
      %jit3A_439 = arith.constant 2 : i32
      %eq3A_440 = arith.constant 0 : i32
      %eq3A_441 = arith.cmpi eq, %jit3A_439, %eq3A_440 : i32
      %jit3A_442 = arith.constant 1 : i32
      %select_n3A_443 = arith.select %eq3A_441, %jit3A_442, %jit3A_439 : i32
      %rem3A_444 = arith.remsi %add3A_414, %select_n3A_443 : i32
      %ne3A_445 = arith.constant 0 : i32
      %ne3A_446 = arith.cmpi ne, %rem3A_444, %ne3A_445 : i32
      %lt3A_447 = arith.constant 0 : i32
      %lt3A_448 = arith.cmpi slt, %rem3A_444, %lt3A_447 : i32
      %lt3A_449 = arith.constant 0 : i32
      %lt3A_450 = arith.cmpi slt, %select_n3A_443, %lt3A_449 : i32
      %ne3A_451 = arith.xori %lt3A_448, %lt3A_450 : i1
      %and3A_452 = arith.andi %ne3A_451, %ne3A_446 : i1
      %add3A_453 = arith.addi %rem3A_444, %select_n3A_443 : i32
      %select_n3A_454 = arith.select %and3A_452, %add3A_453, %rem3A_444 : i32
      %mul3A_455 = arith.constant 64 : i32
      %mul3A_456 = arith.muli %select_n3A_454, %mul3A_455 : i32
      %add3A_457 = arith.addi %mul3A_2, %mul3A_456 : i32
      %dma_start3A_458 = arith.constant 0 : i32
      %dma_start3A_459 = tpu.memref_slice %arg4[%select_n3A_438, %add3A_457, %dma_start3A_458] : memref<50x4096x128xf32, #tpu.memory_space<hbm>> -> memref<1x64x128xf32, #tpu.memory_space<hbm>>
      %dma_start3A_460 = tpu.memref_squeeze %dma_start3A_459 : memref<1x64x128xf32, #tpu.memory_space<hbm>> -> memref<64x128xf32, #tpu.memory_space<hbm>>
      %dma_start3A_461 = arith.constant 0 : i32
      %dma_start3A_462 = tpu.memref_slice %arg4[%select_n3A_438, %add3A_457, %dma_start3A_461] : memref<50x4096x128xf32, #tpu.memory_space<hbm>> -> memref<1x64x128xf32, #tpu.memory_space<hbm>>
      %dma_start3A_463 = tpu.memref_squeeze %dma_start3A_462 : memref<1x64x128xf32, #tpu.memory_space<hbm>> -> memref<64x128xf32, #tpu.memory_space<hbm>>
      tpu.enqueue_dma source(%arg8 : memref<64x128xf32, #tpu.memory_space<vmem>>) target(%dma_start3A_463 : memref<64x128xf32, #tpu.memory_space<hbm>>) target_semaphore(%arg28 : memref<!tpu.dma_semaphore, #tpu.memory_space<semaphore_mem>>)
      %dma_wait3A_464 = arith.constant 0 : i32
      %dma_wait3A_465 = arith.constant 0 : i32
      %dma_wait3A_466 = tpu.memref_slice %arg2[%dma_wait3A_464, %dma_wait3A_465] : memref<100000x128xf32, #tpu.memory_space<hbm>> -> memref<64x128xf32, #tpu.memory_space<hbm>>
      %dma_wait3A_467 = arith.constant 0 : i32
      %dma_wait3A_468 = arith.constant 0 : i32
      %dma_wait3A_469 = tpu.memref_slice %arg2[%dma_wait3A_467, %dma_wait3A_468] : memref<100000x128xf32, #tpu.memory_space<hbm>> -> memref<64x128xf32, #tpu.memory_space<hbm>>
      tpu.wait_dma2 semaphore(%arg19 : memref<!tpu.dma_semaphore, #tpu.memory_space<semaphore_mem>>) src(%dma_wait3A_469 : memref<64x128xf32, #tpu.memory_space<hbm>>) dst(%arg9 : memref<64x128xf32, #tpu.memory_space<vmem>>)
      %mul3A_470 = arith.constant 10 : i32
      %mul3A_471 = arith.muli %scan3A_296, %mul3A_470 : i32
      %add3A_472 = arith.constant 3 : i32
      %add3A_473 = arith.addi %mul3A_471, %add3A_472 : i32
      %jit3A_474 = arith.constant 2 : i32
      %div3A_475 = arith.divsi %add3A_473, %jit3A_474 : i32
      %sign3A_476 = arith.constant 0 : i32
      %sign3A_477 = arith.cmpi sgt, %add3A_473, %sign3A_476 : i32
      %sign3A_478 = arith.extui %sign3A_477 : i1 to i32
      %sign3A_479 = arith.constant 0 : i32
      %sign3A_480 = arith.cmpi slt, %add3A_473, %sign3A_479 : i32
      %sign3A_481 = arith.extui %sign3A_480 : i1 to i32
      %sign3A_482 = arith.subi %sign3A_478, %sign3A_481 : i32
      %sign3A_483 = arith.constant 0 : i32
      %sign3A_484 = arith.cmpi sgt, %jit3A_474, %sign3A_483 : i32
      %sign3A_485 = arith.extui %sign3A_484 : i1 to i32
      %sign3A_486 = arith.constant 0 : i32
      %sign3A_487 = arith.cmpi slt, %jit3A_474, %sign3A_486 : i32
      %sign3A_488 = arith.extui %sign3A_487 : i1 to i32
      %sign3A_489 = arith.subi %sign3A_485, %sign3A_488 : i32
      %ne3A_490 = arith.cmpi ne, %sign3A_482, %sign3A_489 : i32
      %rem3A_491 = arith.remsi %add3A_473, %jit3A_474 : i32
      %ne3A_492 = arith.constant 0 : i32
      %ne3A_493 = arith.cmpi ne, %rem3A_491, %ne3A_492 : i32
      %and3A_494 = arith.andi %ne3A_490, %ne3A_493 : i1
      %sub3A_495 = arith.constant 1 : i32
      %sub3A_496 = arith.subi %div3A_475, %sub3A_495 : i32
      %select_n3A_497 = arith.select %and3A_494, %sub3A_496, %div3A_475 : i32
      %jit3A_498 = arith.constant 2 : i32
      %eq3A_499 = arith.constant 0 : i32
      %eq3A_500 = arith.cmpi eq, %jit3A_498, %eq3A_499 : i32
      %jit3A_501 = arith.constant 1 : i32
      %select_n3A_502 = arith.select %eq3A_500, %jit3A_501, %jit3A_498 : i32
      %rem3A_503 = arith.remsi %add3A_473, %select_n3A_502 : i32
      %ne3A_504 = arith.constant 0 : i32
      %ne3A_505 = arith.cmpi ne, %rem3A_503, %ne3A_504 : i32
      %lt3A_506 = arith.constant 0 : i32
      %lt3A_507 = arith.cmpi slt, %rem3A_503, %lt3A_506 : i32
      %lt3A_508 = arith.constant 0 : i32
      %lt3A_509 = arith.cmpi slt, %select_n3A_502, %lt3A_508 : i32
      %ne3A_510 = arith.xori %lt3A_507, %lt3A_509 : i1
      %and3A_511 = arith.andi %ne3A_510, %ne3A_505 : i1
      %add3A_512 = arith.addi %rem3A_503, %select_n3A_502 : i32
      %select_n3A_513 = arith.select %and3A_511, %add3A_512, %rem3A_503 : i32
      %mul3A_514 = arith.constant 64 : i32
      %mul3A_515 = arith.muli %select_n3A_513, %mul3A_514 : i32
      %add3A_516 = arith.addi %mul3A_2, %mul3A_515 : i32
      %dma_start3A_517 = arith.constant 0 : i32
      %dma_start3A_518 = tpu.memref_slice %arg4[%select_n3A_497, %add3A_516, %dma_start3A_517] : memref<50x4096x128xf32, #tpu.memory_space<hbm>> -> memref<1x64x128xf32, #tpu.memory_space<hbm>>
      %dma_start3A_519 = tpu.memref_squeeze %dma_start3A_518 : memref<1x64x128xf32, #tpu.memory_space<hbm>> -> memref<64x128xf32, #tpu.memory_space<hbm>>
      %dma_start3A_520 = arith.constant 0 : i32
      %dma_start3A_521 = tpu.memref_slice %arg4[%select_n3A_497, %add3A_516, %dma_start3A_520] : memref<50x4096x128xf32, #tpu.memory_space<hbm>> -> memref<1x64x128xf32, #tpu.memory_space<hbm>>
      %dma_start3A_522 = tpu.memref_squeeze %dma_start3A_521 : memref<1x64x128xf32, #tpu.memory_space<hbm>> -> memref<64x128xf32, #tpu.memory_space<hbm>>
      tpu.enqueue_dma source(%arg9 : memref<64x128xf32, #tpu.memory_space<vmem>>) target(%dma_start3A_522 : memref<64x128xf32, #tpu.memory_space<hbm>>) target_semaphore(%arg29 : memref<!tpu.dma_semaphore, #tpu.memory_space<semaphore_mem>>)
      %dma_wait3A_523 = arith.constant 0 : i32
      %dma_wait3A_524 = arith.constant 0 : i32
      %dma_wait3A_525 = tpu.memref_slice %arg2[%dma_wait3A_523, %dma_wait3A_524] : memref<100000x128xf32, #tpu.memory_space<hbm>> -> memref<64x128xf32, #tpu.memory_space<hbm>>
      %dma_wait3A_526 = arith.constant 0 : i32
      %dma_wait3A_527 = arith.constant 0 : i32
      %dma_wait3A_528 = tpu.memref_slice %arg2[%dma_wait3A_526, %dma_wait3A_527] : memref<100000x128xf32, #tpu.memory_space<hbm>> -> memref<64x128xf32, #tpu.memory_space<hbm>>
      tpu.wait_dma2 semaphore(%arg20 : memref<!tpu.dma_semaphore, #tpu.memory_space<semaphore_mem>>) src(%dma_wait3A_528 : memref<64x128xf32, #tpu.memory_space<hbm>>) dst(%arg10 : memref<64x128xf32, #tpu.memory_space<vmem>>)
      %mul3A_529 = arith.constant 10 : i32
      %mul3A_530 = arith.muli %scan3A_296, %mul3A_529 : i32
      %add3A_531 = arith.constant 4 : i32
      %add3A_532 = arith.addi %mul3A_530, %add3A_531 : i32
      %jit3A_533 = arith.constant 2 : i32
      %div3A_534 = arith.divsi %add3A_532, %jit3A_533 : i32
      %sign3A_535 = arith.constant 0 : i32
      %sign3A_536 = arith.cmpi sgt, %add3A_532, %sign3A_535 : i32
      %sign3A_537 = arith.extui %sign3A_536 : i1 to i32
      %sign3A_538 = arith.constant 0 : i32
      %sign3A_539 = arith.cmpi slt, %add3A_532, %sign3A_538 : i32
      %sign3A_540 = arith.extui %sign3A_539 : i1 to i32
      %sign3A_541 = arith.subi %sign3A_537, %sign3A_540 : i32
      %sign3A_542 = arith.constant 0 : i32
      %sign3A_543 = arith.cmpi sgt, %jit3A_533, %sign3A_542 : i32
      %sign3A_544 = arith.extui %sign3A_543 : i1 to i32
      %sign3A_545 = arith.constant 0 : i32
      %sign3A_546 = arith.cmpi slt, %jit3A_533, %sign3A_545 : i32
      %sign3A_547 = arith.extui %sign3A_546 : i1 to i32
      %sign3A_548 = arith.subi %sign3A_544, %sign3A_547 : i32
      %ne3A_549 = arith.cmpi ne, %sign3A_541, %sign3A_548 : i32
      %rem3A_550 = arith.remsi %add3A_532, %jit3A_533 : i32
      %ne3A_551 = arith.constant 0 : i32
      %ne3A_552 = arith.cmpi ne, %rem3A_550, %ne3A_551 : i32
      %and3A_553 = arith.andi %ne3A_549, %ne3A_552 : i1
      %sub3A_554 = arith.constant 1 : i32
      %sub3A_555 = arith.subi %div3A_534, %sub3A_554 : i32
      %select_n3A_556 = arith.select %and3A_553, %sub3A_555, %div3A_534 : i32
      %jit3A_557 = arith.constant 2 : i32
      %eq3A_558 = arith.constant 0 : i32
      %eq3A_559 = arith.cmpi eq, %jit3A_557, %eq3A_558 : i32
      %jit3A_560 = arith.constant 1 : i32
      %select_n3A_561 = arith.select %eq3A_559, %jit3A_560, %jit3A_557 : i32
      %rem3A_562 = arith.remsi %add3A_532, %select_n3A_561 : i32
      %ne3A_563 = arith.constant 0 : i32
      %ne3A_564 = arith.cmpi ne, %rem3A_562, %ne3A_563 : i32
      %lt3A_565 = arith.constant 0 : i32
      %lt3A_566 = arith.cmpi slt, %rem3A_562, %lt3A_565 : i32
      %lt3A_567 = arith.constant 0 : i32
      %lt3A_568 = arith.cmpi slt, %select_n3A_561, %lt3A_567 : i32
      %ne3A_569 = arith.xori %lt3A_566, %lt3A_568 : i1
      %and3A_570 = arith.andi %ne3A_569, %ne3A_564 : i1
      %add3A_571 = arith.addi %rem3A_562, %select_n3A_561 : i32
      %select_n3A_572 = arith.select %and3A_570, %add3A_571, %rem3A_562 : i32
      %mul3A_573 = arith.constant 64 : i32
      %mul3A_574 = arith.muli %select_n3A_572, %mul3A_573 : i32
      %add3A_575 = arith.addi %mul3A_2, %mul3A_574 : i32
      %dma_start3A_576 = arith.constant 0 : i32
      %dma_start3A_577 = tpu.memref_slice %arg4[%select_n3A_556, %add3A_575, %dma_start3A_576] : memref<50x4096x128xf32, #tpu.memory_space<hbm>> -> memref<1x64x128xf32, #tpu.memory_space<hbm>>
      %dma_start3A_578 = tpu.memref_squeeze %dma_start3A_577 : memref<1x64x128xf32, #tpu.memory_space<hbm>> -> memref<64x128xf32, #tpu.memory_space<hbm>>
      %dma_start3A_579 = arith.constant 0 : i32
      %dma_start3A_580 = tpu.memref_slice %arg4[%select_n3A_556, %add3A_575, %dma_start3A_579] : memref<50x4096x128xf32, #tpu.memory_space<hbm>> -> memref<1x64x128xf32, #tpu.memory_space<hbm>>
      %dma_start3A_581 = tpu.memref_squeeze %dma_start3A_580 : memref<1x64x128xf32, #tpu.memory_space<hbm>> -> memref<64x128xf32, #tpu.memory_space<hbm>>
      tpu.enqueue_dma source(%arg10 : memref<64x128xf32, #tpu.memory_space<vmem>>) target(%dma_start3A_581 : memref<64x128xf32, #tpu.memory_space<hbm>>) target_semaphore(%arg30 : memref<!tpu.dma_semaphore, #tpu.memory_space<semaphore_mem>>)
      %dma_wait3A_582 = arith.constant 0 : i32
      %dma_wait3A_583 = arith.constant 0 : i32
      %dma_wait3A_584 = tpu.memref_slice %arg2[%dma_wait3A_582, %dma_wait3A_583] : memref<100000x128xf32, #tpu.memory_space<hbm>> -> memref<64x128xf32, #tpu.memory_space<hbm>>
      %dma_wait3A_585 = arith.constant 0 : i32
      %dma_wait3A_586 = arith.constant 0 : i32
      %dma_wait3A_587 = tpu.memref_slice %arg2[%dma_wait3A_585, %dma_wait3A_586] : memref<100000x128xf32, #tpu.memory_space<hbm>> -> memref<64x128xf32, #tpu.memory_space<hbm>>
      tpu.wait_dma2 semaphore(%arg21 : memref<!tpu.dma_semaphore, #tpu.memory_space<semaphore_mem>>) src(%dma_wait3A_587 : memref<64x128xf32, #tpu.memory_space<hbm>>) dst(%arg11 : memref<64x128xf32, #tpu.memory_space<vmem>>)
      %mul3A_588 = arith.constant 10 : i32
      %mul3A_589 = arith.muli %scan3A_296, %mul3A_588 : i32
      %add3A_590 = arith.constant 5 : i32
      %add3A_591 = arith.addi %mul3A_589, %add3A_590 : i32
      %jit3A_592 = arith.constant 2 : i32
      %div3A_593 = arith.divsi %add3A_591, %jit3A_592 : i32
      %sign3A_594 = arith.constant 0 : i32
      %sign3A_595 = arith.cmpi sgt, %add3A_591, %sign3A_594 : i32
      %sign3A_596 = arith.extui %sign3A_595 : i1 to i32
      %sign3A_597 = arith.constant 0 : i32
      %sign3A_598 = arith.cmpi slt, %add3A_591, %sign3A_597 : i32
      %sign3A_599 = arith.extui %sign3A_598 : i1 to i32
      %sign3A_600 = arith.subi %sign3A_596, %sign3A_599 : i32
      %sign3A_601 = arith.constant 0 : i32
      %sign3A_602 = arith.cmpi sgt, %jit3A_592, %sign3A_601 : i32
      %sign3A_603 = arith.extui %sign3A_602 : i1 to i32
      %sign3A_604 = arith.constant 0 : i32
      %sign3A_605 = arith.cmpi slt, %jit3A_592, %sign3A_604 : i32
      %sign3A_606 = arith.extui %sign3A_605 : i1 to i32
      %sign3A_607 = arith.subi %sign3A_603, %sign3A_606 : i32
      %ne3A_608 = arith.cmpi ne, %sign3A_600, %sign3A_607 : i32
      %rem3A_609 = arith.remsi %add3A_591, %jit3A_592 : i32
      %ne3A_610 = arith.constant 0 : i32
      %ne3A_611 = arith.cmpi ne, %rem3A_609, %ne3A_610 : i32
      %and3A_612 = arith.andi %ne3A_608, %ne3A_611 : i1
      %sub3A_613 = arith.constant 1 : i32
      %sub3A_614 = arith.subi %div3A_593, %sub3A_613 : i32
      %select_n3A_615 = arith.select %and3A_612, %sub3A_614, %div3A_593 : i32
      %jit3A_616 = arith.constant 2 : i32
      %eq3A_617 = arith.constant 0 : i32
      %eq3A_618 = arith.cmpi eq, %jit3A_616, %eq3A_617 : i32
      %jit3A_619 = arith.constant 1 : i32
      %select_n3A_620 = arith.select %eq3A_618, %jit3A_619, %jit3A_616 : i32
      %rem3A_621 = arith.remsi %add3A_591, %select_n3A_620 : i32
      %ne3A_622 = arith.constant 0 : i32
      %ne3A_623 = arith.cmpi ne, %rem3A_621, %ne3A_622 : i32
      %lt3A_624 = arith.constant 0 : i32
      %lt3A_625 = arith.cmpi slt, %rem3A_621, %lt3A_624 : i32
      %lt3A_626 = arith.constant 0 : i32
      %lt3A_627 = arith.cmpi slt, %select_n3A_620, %lt3A_626 : i32
      %ne3A_628 = arith.xori %lt3A_625, %lt3A_627 : i1
      %and3A_629 = arith.andi %ne3A_628, %ne3A_623 : i1
      %add3A_630 = arith.addi %rem3A_621, %select_n3A_620 : i32
      %select_n3A_631 = arith.select %and3A_629, %add3A_630, %rem3A_621 : i32
      %mul3A_632 = arith.constant 64 : i32
      %mul3A_633 = arith.muli %select_n3A_631, %mul3A_632 : i32
      %add3A_634 = arith.addi %mul3A_2, %mul3A_633 : i32
      %dma_start3A_635 = arith.constant 0 : i32
      %dma_start3A_636 = tpu.memref_slice %arg4[%select_n3A_615, %add3A_634, %dma_start3A_635] : memref<50x4096x128xf32, #tpu.memory_space<hbm>> -> memref<1x64x128xf32, #tpu.memory_space<hbm>>
      %dma_start3A_637 = tpu.memref_squeeze %dma_start3A_636 : memref<1x64x128xf32, #tpu.memory_space<hbm>> -> memref<64x128xf32, #tpu.memory_space<hbm>>
      %dma_start3A_638 = arith.constant 0 : i32
      %dma_start3A_639 = tpu.memref_slice %arg4[%select_n3A_615, %add3A_634, %dma_start3A_638] : memref<50x4096x128xf32, #tpu.memory_space<hbm>> -> memref<1x64x128xf32, #tpu.memory_space<hbm>>
      %dma_start3A_640 = tpu.memref_squeeze %dma_start3A_639 : memref<1x64x128xf32, #tpu.memory_space<hbm>> -> memref<64x128xf32, #tpu.memory_space<hbm>>
      tpu.enqueue_dma source(%arg11 : memref<64x128xf32, #tpu.memory_space<vmem>>) target(%dma_start3A_640 : memref<64x128xf32, #tpu.memory_space<hbm>>) target_semaphore(%arg31 : memref<!tpu.dma_semaphore, #tpu.memory_space<semaphore_mem>>)
      %dma_wait3A_641 = arith.constant 0 : i32
      %dma_wait3A_642 = arith.constant 0 : i32
      %dma_wait3A_643 = tpu.memref_slice %arg2[%dma_wait3A_641, %dma_wait3A_642] : memref<100000x128xf32, #tpu.memory_space<hbm>> -> memref<64x128xf32, #tpu.memory_space<hbm>>
      %dma_wait3A_644 = arith.constant 0 : i32
      %dma_wait3A_645 = arith.constant 0 : i32
      %dma_wait3A_646 = tpu.memref_slice %arg2[%dma_wait3A_644, %dma_wait3A_645] : memref<100000x128xf32, #tpu.memory_space<hbm>> -> memref<64x128xf32, #tpu.memory_space<hbm>>
      tpu.wait_dma2 semaphore(%arg22 : memref<!tpu.dma_semaphore, #tpu.memory_space<semaphore_mem>>) src(%dma_wait3A_646 : memref<64x128xf32, #tpu.memory_space<hbm>>) dst(%arg12 : memref<64x128xf32, #tpu.memory_space<vmem>>)
      %mul3A_647 = arith.constant 10 : i32
      %mul3A_648 = arith.muli %scan3A_296, %mul3A_647 : i32
      %add3A_649 = arith.constant 6 : i32
      %add3A_650 = arith.addi %mul3A_648, %add3A_649 : i32
      %jit3A_651 = arith.constant 2 : i32
      %div3A_652 = arith.divsi %add3A_650, %jit3A_651 : i32
      %sign3A_653 = arith.constant 0 : i32
      %sign3A_654 = arith.cmpi sgt, %add3A_650, %sign3A_653 : i32
      %sign3A_655 = arith.extui %sign3A_654 : i1 to i32
      %sign3A_656 = arith.constant 0 : i32
      %sign3A_657 = arith.cmpi slt, %add3A_650, %sign3A_656 : i32
      %sign3A_658 = arith.extui %sign3A_657 : i1 to i32
      %sign3A_659 = arith.subi %sign3A_655, %sign3A_658 : i32
      %sign3A_660 = arith.constant 0 : i32
      %sign3A_661 = arith.cmpi sgt, %jit3A_651, %sign3A_660 : i32
      %sign3A_662 = arith.extui %sign3A_661 : i1 to i32
      %sign3A_663 = arith.constant 0 : i32
      %sign3A_664 = arith.cmpi slt, %jit3A_651, %sign3A_663 : i32
      %sign3A_665 = arith.extui %sign3A_664 : i1 to i32
      %sign3A_666 = arith.subi %sign3A_662, %sign3A_665 : i32
      %ne3A_667 = arith.cmpi ne, %sign3A_659, %sign3A_666 : i32
      %rem3A_668 = arith.remsi %add3A_650, %jit3A_651 : i32
      %ne3A_669 = arith.constant 0 : i32
      %ne3A_670 = arith.cmpi ne, %rem3A_668, %ne3A_669 : i32
      %and3A_671 = arith.andi %ne3A_667, %ne3A_670 : i1
      %sub3A_672 = arith.constant 1 : i32
      %sub3A_673 = arith.subi %div3A_652, %sub3A_672 : i32
      %select_n3A_674 = arith.select %and3A_671, %sub3A_673, %div3A_652 : i32
      %jit3A_675 = arith.constant 2 : i32
      %eq3A_676 = arith.constant 0 : i32
      %eq3A_677 = arith.cmpi eq, %jit3A_675, %eq3A_676 : i32
      %jit3A_678 = arith.constant 1 : i32
      %select_n3A_679 = arith.select %eq3A_677, %jit3A_678, %jit3A_675 : i32
      %rem3A_680 = arith.remsi %add3A_650, %select_n3A_679 : i32
      %ne3A_681 = arith.constant 0 : i32
      %ne3A_682 = arith.cmpi ne, %rem3A_680, %ne3A_681 : i32
      %lt3A_683 = arith.constant 0 : i32
      %lt3A_684 = arith.cmpi slt, %rem3A_680, %lt3A_683 : i32
      %lt3A_685 = arith.constant 0 : i32
      %lt3A_686 = arith.cmpi slt, %select_n3A_679, %lt3A_685 : i32
      %ne3A_687 = arith.xori %lt3A_684, %lt3A_686 : i1
      %and3A_688 = arith.andi %ne3A_687, %ne3A_682 : i1
      %add3A_689 = arith.addi %rem3A_680, %select_n3A_679 : i32
      %select_n3A_690 = arith.select %and3A_688, %add3A_689, %rem3A_680 : i32
      %mul3A_691 = arith.constant 64 : i32
      %mul3A_692 = arith.muli %select_n3A_690, %mul3A_691 : i32
      %add3A_693 = arith.addi %mul3A_2, %mul3A_692 : i32
      %dma_start3A_694 = arith.constant 0 : i32
      %dma_start3A_695 = tpu.memref_slice %arg4[%select_n3A_674, %add3A_693, %dma_start3A_694] : memref<50x4096x128xf32, #tpu.memory_space<hbm>> -> memref<1x64x128xf32, #tpu.memory_space<hbm>>
      %dma_start3A_696 = tpu.memref_squeeze %dma_start3A_695 : memref<1x64x128xf32, #tpu.memory_space<hbm>> -> memref<64x128xf32, #tpu.memory_space<hbm>>
      %dma_start3A_697 = arith.constant 0 : i32
      %dma_start3A_698 = tpu.memref_slice %arg4[%select_n3A_674, %add3A_693, %dma_start3A_697] : memref<50x4096x128xf32, #tpu.memory_space<hbm>> -> memref<1x64x128xf32, #tpu.memory_space<hbm>>
      %dma_start3A_699 = tpu.memref_squeeze %dma_start3A_698 : memref<1x64x128xf32, #tpu.memory_space<hbm>> -> memref<64x128xf32, #tpu.memory_space<hbm>>
      tpu.enqueue_dma source(%arg12 : memref<64x128xf32, #tpu.memory_space<vmem>>) target(%dma_start3A_699 : memref<64x128xf32, #tpu.memory_space<hbm>>) target_semaphore(%arg32 : memref<!tpu.dma_semaphore, #tpu.memory_space<semaphore_mem>>)
      %dma_wait3A_700 = arith.constant 0 : i32
      %dma_wait3A_701 = arith.constant 0 : i32
      %dma_wait3A_702 = tpu.memref_slice %arg2[%dma_wait3A_700, %dma_wait3A_701] : memref<100000x128xf32, #tpu.memory_space<hbm>> -> memref<64x128xf32, #tpu.memory_space<hbm>>
      %dma_wait3A_703 = arith.constant 0 : i32
      %dma_wait3A_704 = arith.constant 0 : i32
      %dma_wait3A_705 = tpu.memref_slice %arg2[%dma_wait3A_703, %dma_wait3A_704] : memref<100000x128xf32, #tpu.memory_space<hbm>> -> memref<64x128xf32, #tpu.memory_space<hbm>>
      tpu.wait_dma2 semaphore(%arg23 : memref<!tpu.dma_semaphore, #tpu.memory_space<semaphore_mem>>) src(%dma_wait3A_705 : memref<64x128xf32, #tpu.memory_space<hbm>>) dst(%arg13 : memref<64x128xf32, #tpu.memory_space<vmem>>)
      %mul3A_706 = arith.constant 10 : i32
      %mul3A_707 = arith.muli %scan3A_296, %mul3A_706 : i32
      %add3A_708 = arith.constant 7 : i32
      %add3A_709 = arith.addi %mul3A_707, %add3A_708 : i32
      %jit3A_710 = arith.constant 2 : i32
      %div3A_711 = arith.divsi %add3A_709, %jit3A_710 : i32
      %sign3A_712 = arith.constant 0 : i32
      %sign3A_713 = arith.cmpi sgt, %add3A_709, %sign3A_712 : i32
      %sign3A_714 = arith.extui %sign3A_713 : i1 to i32
      %sign3A_715 = arith.constant 0 : i32
      %sign3A_716 = arith.cmpi slt, %add3A_709, %sign3A_715 : i32
      %sign3A_717 = arith.extui %sign3A_716 : i1 to i32
      %sign3A_718 = arith.subi %sign3A_714, %sign3A_717 : i32
      %sign3A_719 = arith.constant 0 : i32
      %sign3A_720 = arith.cmpi sgt, %jit3A_710, %sign3A_719 : i32
      %sign3A_721 = arith.extui %sign3A_720 : i1 to i32
      %sign3A_722 = arith.constant 0 : i32
      %sign3A_723 = arith.cmpi slt, %jit3A_710, %sign3A_722 : i32
      %sign3A_724 = arith.extui %sign3A_723 : i1 to i32
      %sign3A_725 = arith.subi %sign3A_721, %sign3A_724 : i32
      %ne3A_726 = arith.cmpi ne, %sign3A_718, %sign3A_725 : i32
      %rem3A_727 = arith.remsi %add3A_709, %jit3A_710 : i32
      %ne3A_728 = arith.constant 0 : i32
      %ne3A_729 = arith.cmpi ne, %rem3A_727, %ne3A_728 : i32
      %and3A_730 = arith.andi %ne3A_726, %ne3A_729 : i1
      %sub3A_731 = arith.constant 1 : i32
      %sub3A_732 = arith.subi %div3A_711, %sub3A_731 : i32
      %select_n3A_733 = arith.select %and3A_730, %sub3A_732, %div3A_711 : i32
      %jit3A_734 = arith.constant 2 : i32
      %eq3A_735 = arith.constant 0 : i32
      %eq3A_736 = arith.cmpi eq, %jit3A_734, %eq3A_735 : i32
      %jit3A_737 = arith.constant 1 : i32
      %select_n3A_738 = arith.select %eq3A_736, %jit3A_737, %jit3A_734 : i32
      %rem3A_739 = arith.remsi %add3A_709, %select_n3A_738 : i32
      %ne3A_740 = arith.constant 0 : i32
      %ne3A_741 = arith.cmpi ne, %rem3A_739, %ne3A_740 : i32
      %lt3A_742 = arith.constant 0 : i32
      %lt3A_743 = arith.cmpi slt, %rem3A_739, %lt3A_742 : i32
      %lt3A_744 = arith.constant 0 : i32
      %lt3A_745 = arith.cmpi slt, %select_n3A_738, %lt3A_744 : i32
      %ne3A_746 = arith.xori %lt3A_743, %lt3A_745 : i1
      %and3A_747 = arith.andi %ne3A_746, %ne3A_741 : i1
      %add3A_748 = arith.addi %rem3A_739, %select_n3A_738 : i32
      %select_n3A_749 = arith.select %and3A_747, %add3A_748, %rem3A_739 : i32
      %mul3A_750 = arith.constant 64 : i32
      %mul3A_751 = arith.muli %select_n3A_749, %mul3A_750 : i32
      %add3A_752 = arith.addi %mul3A_2, %mul3A_751 : i32
      %dma_start3A_753 = arith.constant 0 : i32
      %dma_start3A_754 = tpu.memref_slice %arg4[%select_n3A_733, %add3A_752, %dma_start3A_753] : memref<50x4096x128xf32, #tpu.memory_space<hbm>> -> memref<1x64x128xf32, #tpu.memory_space<hbm>>
      %dma_start3A_755 = tpu.memref_squeeze %dma_start3A_754 : memref<1x64x128xf32, #tpu.memory_space<hbm>> -> memref<64x128xf32, #tpu.memory_space<hbm>>
      %dma_start3A_756 = arith.constant 0 : i32
      %dma_start3A_757 = tpu.memref_slice %arg4[%select_n3A_733, %add3A_752, %dma_start3A_756] : memref<50x4096x128xf32, #tpu.memory_space<hbm>> -> memref<1x64x128xf32, #tpu.memory_space<hbm>>
      %dma_start3A_758 = tpu.memref_squeeze %dma_start3A_757 : memref<1x64x128xf32, #tpu.memory_space<hbm>> -> memref<64x128xf32, #tpu.memory_space<hbm>>
      tpu.enqueue_dma source(%arg13 : memref<64x128xf32, #tpu.memory_space<vmem>>) target(%dma_start3A_758 : memref<64x128xf32, #tpu.memory_space<hbm>>) target_semaphore(%arg33 : memref<!tpu.dma_semaphore, #tpu.memory_space<semaphore_mem>>)
      %dma_wait3A_759 = arith.constant 0 : i32
      %dma_wait3A_760 = arith.constant 0 : i32
      %dma_wait3A_761 = tpu.memref_slice %arg2[%dma_wait3A_759, %dma_wait3A_760] : memref<100000x128xf32, #tpu.memory_space<hbm>> -> memref<64x128xf32, #tpu.memory_space<hbm>>
      %dma_wait3A_762 = arith.constant 0 : i32
      %dma_wait3A_763 = arith.constant 0 : i32
      %dma_wait3A_764 = tpu.memref_slice %arg2[%dma_wait3A_762, %dma_wait3A_763] : memref<100000x128xf32, #tpu.memory_space<hbm>> -> memref<64x128xf32, #tpu.memory_space<hbm>>
      tpu.wait_dma2 semaphore(%arg24 : memref<!tpu.dma_semaphore, #tpu.memory_space<semaphore_mem>>) src(%dma_wait3A_764 : memref<64x128xf32, #tpu.memory_space<hbm>>) dst(%arg14 : memref<64x128xf32, #tpu.memory_space<vmem>>)
      %mul3A_765 = arith.constant 10 : i32
      %mul3A_766 = arith.muli %scan3A_296, %mul3A_765 : i32
      %add3A_767 = arith.constant 8 : i32
      %add3A_768 = arith.addi %mul3A_766, %add3A_767 : i32
      %jit3A_769 = arith.constant 2 : i32
      %div3A_770 = arith.divsi %add3A_768, %jit3A_769 : i32
      %sign3A_771 = arith.constant 0 : i32
      %sign3A_772 = arith.cmpi sgt, %add3A_768, %sign3A_771 : i32
      %sign3A_773 = arith.extui %sign3A_772 : i1 to i32
      %sign3A_774 = arith.constant 0 : i32
      %sign3A_775 = arith.cmpi slt, %add3A_768, %sign3A_774 : i32
      %sign3A_776 = arith.extui %sign3A_775 : i1 to i32
      %sign3A_777 = arith.subi %sign3A_773, %sign3A_776 : i32
      %sign3A_778 = arith.constant 0 : i32
      %sign3A_779 = arith.cmpi sgt, %jit3A_769, %sign3A_778 : i32
      %sign3A_780 = arith.extui %sign3A_779 : i1 to i32
      %sign3A_781 = arith.constant 0 : i32
      %sign3A_782 = arith.cmpi slt, %jit3A_769, %sign3A_781 : i32
      %sign3A_783 = arith.extui %sign3A_782 : i1 to i32
      %sign3A_784 = arith.subi %sign3A_780, %sign3A_783 : i32
      %ne3A_785 = arith.cmpi ne, %sign3A_777, %sign3A_784 : i32
      %rem3A_786 = arith.remsi %add3A_768, %jit3A_769 : i32
      %ne3A_787 = arith.constant 0 : i32
      %ne3A_788 = arith.cmpi ne, %rem3A_786, %ne3A_787 : i32
      %and3A_789 = arith.andi %ne3A_785, %ne3A_788 : i1
      %sub3A_790 = arith.constant 1 : i32
      %sub3A_791 = arith.subi %div3A_770, %sub3A_790 : i32
      %select_n3A_792 = arith.select %and3A_789, %sub3A_791, %div3A_770 : i32
      %jit3A_793 = arith.constant 2 : i32
      %eq3A_794 = arith.constant 0 : i32
      %eq3A_795 = arith.cmpi eq, %jit3A_793, %eq3A_794 : i32
      %jit3A_796 = arith.constant 1 : i32
      %select_n3A_797 = arith.select %eq3A_795, %jit3A_796, %jit3A_793 : i32
      %rem3A_798 = arith.remsi %add3A_768, %select_n3A_797 : i32
      %ne3A_799 = arith.constant 0 : i32
      %ne3A_800 = arith.cmpi ne, %rem3A_798, %ne3A_799 : i32
      %lt3A_801 = arith.constant 0 : i32
      %lt3A_802 = arith.cmpi slt, %rem3A_798, %lt3A_801 : i32
      %lt3A_803 = arith.constant 0 : i32
      %lt3A_804 = arith.cmpi slt, %select_n3A_797, %lt3A_803 : i32
      %ne3A_805 = arith.xori %lt3A_802, %lt3A_804 : i1
      %and3A_806 = arith.andi %ne3A_805, %ne3A_800 : i1
      %add3A_807 = arith.addi %rem3A_798, %select_n3A_797 : i32
      %select_n3A_808 = arith.select %and3A_806, %add3A_807, %rem3A_798 : i32
      %mul3A_809 = arith.constant 64 : i32
      %mul3A_810 = arith.muli %select_n3A_808, %mul3A_809 : i32
      %add3A_811 = arith.addi %mul3A_2, %mul3A_810 : i32
      %dma_start3A_812 = arith.constant 0 : i32
      %dma_start3A_813 = tpu.memref_slice %arg4[%select_n3A_792, %add3A_811, %dma_start3A_812] : memref<50x4096x128xf32, #tpu.memory_space<hbm>> -> memref<1x64x128xf32, #tpu.memory_space<hbm>>
      %dma_start3A_814 = tpu.memref_squeeze %dma_start3A_813 : memref<1x64x128xf32, #tpu.memory_space<hbm>> -> memref<64x128xf32, #tpu.memory_space<hbm>>
      %dma_start3A_815 = arith.constant 0 : i32
      %dma_start3A_816 = tpu.memref_slice %arg4[%select_n3A_792, %add3A_811, %dma_start3A_815] : memref<50x4096x128xf32, #tpu.memory_space<hbm>> -> memref<1x64x128xf32, #tpu.memory_space<hbm>>
      %dma_start3A_817 = tpu.memref_squeeze %dma_start3A_816 : memref<1x64x128xf32, #tpu.memory_space<hbm>> -> memref<64x128xf32, #tpu.memory_space<hbm>>
      tpu.enqueue_dma source(%arg14 : memref<64x128xf32, #tpu.memory_space<vmem>>) target(%dma_start3A_817 : memref<64x128xf32, #tpu.memory_space<hbm>>) target_semaphore(%arg34 : memref<!tpu.dma_semaphore, #tpu.memory_space<semaphore_mem>>)
      %dma_wait3A_818 = arith.constant 0 : i32
      %dma_wait3A_819 = arith.constant 0 : i32
      %dma_wait3A_820 = tpu.memref_slice %arg2[%dma_wait3A_818, %dma_wait3A_819] : memref<100000x128xf32, #tpu.memory_space<hbm>> -> memref<64x128xf32, #tpu.memory_space<hbm>>
      %dma_wait3A_821 = arith.constant 0 : i32
      %dma_wait3A_822 = arith.constant 0 : i32
      %dma_wait3A_823 = tpu.memref_slice %arg2[%dma_wait3A_821, %dma_wait3A_822] : memref<100000x128xf32, #tpu.memory_space<hbm>> -> memref<64x128xf32, #tpu.memory_space<hbm>>
      tpu.wait_dma2 semaphore(%arg25 : memref<!tpu.dma_semaphore, #tpu.memory_space<semaphore_mem>>) src(%dma_wait3A_823 : memref<64x128xf32, #tpu.memory_space<hbm>>) dst(%arg15 : memref<64x128xf32, #tpu.memory_space<vmem>>)
      %mul3A_824 = arith.constant 10 : i32
      %mul3A_825 = arith.muli %scan3A_296, %mul3A_824 : i32
      %add3A_826 = arith.constant 9 : i32
      %add3A_827 = arith.addi %mul3A_825, %add3A_826 : i32
      %jit3A_828 = arith.constant 2 : i32
      %div3A_829 = arith.divsi %add3A_827, %jit3A_828 : i32
      %sign3A_830 = arith.constant 0 : i32
      %sign3A_831 = arith.cmpi sgt, %add3A_827, %sign3A_830 : i32
      %sign3A_832 = arith.extui %sign3A_831 : i1 to i32
      %sign3A_833 = arith.constant 0 : i32
      %sign3A_834 = arith.cmpi slt, %add3A_827, %sign3A_833 : i32
      %sign3A_835 = arith.extui %sign3A_834 : i1 to i32
      %sign3A_836 = arith.subi %sign3A_832, %sign3A_835 : i32
      %sign3A_837 = arith.constant 0 : i32
      %sign3A_838 = arith.cmpi sgt, %jit3A_828, %sign3A_837 : i32
      %sign3A_839 = arith.extui %sign3A_838 : i1 to i32
      %sign3A_840 = arith.constant 0 : i32
      %sign3A_841 = arith.cmpi slt, %jit3A_828, %sign3A_840 : i32
      %sign3A_842 = arith.extui %sign3A_841 : i1 to i32
      %sign3A_843 = arith.subi %sign3A_839, %sign3A_842 : i32
      %ne3A_844 = arith.cmpi ne, %sign3A_836, %sign3A_843 : i32
      %rem3A_845 = arith.remsi %add3A_827, %jit3A_828 : i32
      %ne3A_846 = arith.constant 0 : i32
      %ne3A_847 = arith.cmpi ne, %rem3A_845, %ne3A_846 : i32
      %and3A_848 = arith.andi %ne3A_844, %ne3A_847 : i1
      %sub3A_849 = arith.constant 1 : i32
      %sub3A_850 = arith.subi %div3A_829, %sub3A_849 : i32
      %select_n3A_851 = arith.select %and3A_848, %sub3A_850, %div3A_829 : i32
      %jit3A_852 = arith.constant 2 : i32
      %eq3A_853 = arith.constant 0 : i32
      %eq3A_854 = arith.cmpi eq, %jit3A_852, %eq3A_853 : i32
      %jit3A_855 = arith.constant 1 : i32
      %select_n3A_856 = arith.select %eq3A_854, %jit3A_855, %jit3A_852 : i32
      %rem3A_857 = arith.remsi %add3A_827, %select_n3A_856 : i32
      %ne3A_858 = arith.constant 0 : i32
      %ne3A_859 = arith.cmpi ne, %rem3A_857, %ne3A_858 : i32
      %lt3A_860 = arith.constant 0 : i32
      %lt3A_861 = arith.cmpi slt, %rem3A_857, %lt3A_860 : i32
      %lt3A_862 = arith.constant 0 : i32
      %lt3A_863 = arith.cmpi slt, %select_n3A_856, %lt3A_862 : i32
      %ne3A_864 = arith.xori %lt3A_861, %lt3A_863 : i1
      %and3A_865 = arith.andi %ne3A_864, %ne3A_859 : i1
      %add3A_866 = arith.addi %rem3A_857, %select_n3A_856 : i32
      %select_n3A_867 = arith.select %and3A_865, %add3A_866, %rem3A_857 : i32
      %mul3A_868 = arith.constant 64 : i32
      %mul3A_869 = arith.muli %select_n3A_867, %mul3A_868 : i32
      %add3A_870 = arith.addi %mul3A_2, %mul3A_869 : i32
      %dma_start3A_871 = arith.constant 0 : i32
      %dma_start3A_872 = tpu.memref_slice %arg4[%select_n3A_851, %add3A_870, %dma_start3A_871] : memref<50x4096x128xf32, #tpu.memory_space<hbm>> -> memref<1x64x128xf32, #tpu.memory_space<hbm>>
      %dma_start3A_873 = tpu.memref_squeeze %dma_start3A_872 : memref<1x64x128xf32, #tpu.memory_space<hbm>> -> memref<64x128xf32, #tpu.memory_space<hbm>>
      %dma_start3A_874 = arith.constant 0 : i32
      %dma_start3A_875 = tpu.memref_slice %arg4[%select_n3A_851, %add3A_870, %dma_start3A_874] : memref<50x4096x128xf32, #tpu.memory_space<hbm>> -> memref<1x64x128xf32, #tpu.memory_space<hbm>>
      %dma_start3A_876 = tpu.memref_squeeze %dma_start3A_875 : memref<1x64x128xf32, #tpu.memory_space<hbm>> -> memref<64x128xf32, #tpu.memory_space<hbm>>
      tpu.enqueue_dma source(%arg15 : memref<64x128xf32, #tpu.memory_space<vmem>>) target(%dma_start3A_876 : memref<64x128xf32, #tpu.memory_space<hbm>>) target_semaphore(%arg35 : memref<!tpu.dma_semaphore, #tpu.memory_space<semaphore_mem>>)
      %dma_wait3A_877 = arith.constant 0 : i32
      %dma_wait3A_878 = arith.constant 0 : i32
      %dma_wait3A_879 = tpu.memref_slice %arg4[%dma_wait3A_877, %mul3A_2, %dma_wait3A_878] : memref<50x4096x128xf32, #tpu.memory_space<hbm>> -> memref<1x64x128xf32, #tpu.memory_space<hbm>>
      %dma_wait3A_880 = tpu.memref_squeeze %dma_wait3A_879 : memref<1x64x128xf32, #tpu.memory_space<hbm>> -> memref<64x128xf32, #tpu.memory_space<hbm>>
      %dma_wait3A_881 = arith.constant 0 : i32
      %dma_wait3A_882 = tpu.memref_slice %arg4[%dma_wait3A_877, %mul3A_2, %dma_wait3A_881] : memref<50x4096x128xf32, #tpu.memory_space<hbm>> -> memref<1x64x128xf32, #tpu.memory_space<hbm>>
      %dma_wait3A_883 = tpu.memref_squeeze %dma_wait3A_882 : memref<1x64x128xf32, #tpu.memory_space<hbm>> -> memref<64x128xf32, #tpu.memory_space<hbm>>
      tpu.wait_dma2 semaphore(%arg26 : memref<!tpu.dma_semaphore, #tpu.memory_space<semaphore_mem>>) src(%arg6 : memref<64x128xf32, #tpu.memory_space<vmem>>) dst(%dma_wait3A_883 : memref<64x128xf32, #tpu.memory_space<hbm>>)
      %add3A_884 = arith.constant 1 : i32
      %add3A_885 = arith.addi %scan3A_296, %add3A_884 : i32
      %mul3A_886 = arith.constant 10 : i32
      %mul3A_887 = arith.muli %add3A_885, %mul3A_886 : i32
      %add3A_888 = arith.constant 0 : i32
      %add3A_889 = arith.addi %mul3A_887, %add3A_888 : i32
      %jit3A_890 = arith.constant 2 : i32
      %div3A_891 = arith.divsi %add3A_889, %jit3A_890 : i32
      %sign3A_892 = arith.constant 0 : i32
      %sign3A_893 = arith.cmpi sgt, %add3A_889, %sign3A_892 : i32
      %sign3A_894 = arith.extui %sign3A_893 : i1 to i32
      %sign3A_895 = arith.constant 0 : i32
      %sign3A_896 = arith.cmpi slt, %add3A_889, %sign3A_895 : i32
      %sign3A_897 = arith.extui %sign3A_896 : i1 to i32
      %sign3A_898 = arith.subi %sign3A_894, %sign3A_897 : i32
      %sign3A_899 = arith.constant 0 : i32
      %sign3A_900 = arith.cmpi sgt, %jit3A_890, %sign3A_899 : i32
      %sign3A_901 = arith.extui %sign3A_900 : i1 to i32
      %sign3A_902 = arith.constant 0 : i32
      %sign3A_903 = arith.cmpi slt, %jit3A_890, %sign3A_902 : i32
      %sign3A_904 = arith.extui %sign3A_903 : i1 to i32
      %sign3A_905 = arith.subi %sign3A_901, %sign3A_904 : i32
      %ne3A_906 = arith.cmpi ne, %sign3A_898, %sign3A_905 : i32
      %rem3A_907 = arith.remsi %add3A_889, %jit3A_890 : i32
      %ne3A_908 = arith.constant 0 : i32
      %ne3A_909 = arith.cmpi ne, %rem3A_907, %ne3A_908 : i32
      %and3A_910 = arith.andi %ne3A_906, %ne3A_909 : i1
      %sub3A_911 = arith.constant 1 : i32
      %sub3A_912 = arith.subi %div3A_891, %sub3A_911 : i32
      %select_n3A_913 = arith.select %and3A_910, %sub3A_912, %div3A_891 : i32
      %jit3A_914 = arith.constant 2 : i32
      %eq3A_915 = arith.constant 0 : i32
      %eq3A_916 = arith.cmpi eq, %jit3A_914, %eq3A_915 : i32
      %jit3A_917 = arith.constant 1 : i32
      %select_n3A_918 = arith.select %eq3A_916, %jit3A_917, %jit3A_914 : i32
      %rem3A_919 = arith.remsi %add3A_889, %select_n3A_918 : i32
      %ne3A_920 = arith.constant 0 : i32
      %ne3A_921 = arith.cmpi ne, %rem3A_919, %ne3A_920 : i32
      %lt3A_922 = arith.constant 0 : i32
      %lt3A_923 = arith.cmpi slt, %rem3A_919, %lt3A_922 : i32
      %lt3A_924 = arith.constant 0 : i32
      %lt3A_925 = arith.cmpi slt, %select_n3A_918, %lt3A_924 : i32
      %ne3A_926 = arith.xori %lt3A_923, %lt3A_925 : i1
      %and3A_927 = arith.andi %ne3A_926, %ne3A_921 : i1
      %add3A_928 = arith.addi %rem3A_919, %select_n3A_918 : i32
      %select_n3A_929 = arith.select %and3A_927, %add3A_928, %rem3A_919 : i32
      %mul3A_930 = arith.constant 64 : i32
      %mul3A_931 = arith.muli %select_n3A_929, %mul3A_930 : i32
      %dma_start3A_932 = tpu.memref_slice %arg5[%select_n3A_913, %mul3A_931] : memref<50x128xi32, #tpu.memory_space<vmem>> -> memref<1x64xi32, #tpu.memory_space<vmem>>
      %dma_start3A_933 = tpu.memref_squeeze %dma_start3A_932 : memref<1x64xi32, #tpu.memory_space<vmem>> -> memref<64xi32, #tpu.memory_space<vmem>>
      %dma_start3A_934 = arith.constant 0 : i32
      %dma_start3A_935 = arith.constant 0 : i32
      %dma_start3A_936 = tpu.memref_slice %arg2[%dma_start3A_934, %dma_start3A_935] : memref<100000x128xf32, #tpu.memory_space<hbm>> -> memref<100000x128xf32, #tpu.memory_space<hbm>>
      tpu.enqueue_indirect_dma source(%dma_start3A_936 : memref<100000x128xf32, #tpu.memory_space<hbm>>) target(%arg6 : memref<64x128xf32, #tpu.memory_space<vmem>>) offsets(%dma_start3A_933 : memref<64xi32, #tpu.memory_space<vmem>>) semaphore(%arg16 : memref<!tpu.dma_semaphore, #tpu.memory_space<semaphore_mem>>)
      %dma_wait3A_937 = arith.constant 0 : i32
      %dma_wait3A_938 = arith.constant 0 : i32
      %dma_wait3A_939 = tpu.memref_slice %arg4[%dma_wait3A_937, %mul3A_2, %dma_wait3A_938] : memref<50x4096x128xf32, #tpu.memory_space<hbm>> -> memref<1x64x128xf32, #tpu.memory_space<hbm>>
      %dma_wait3A_940 = tpu.memref_squeeze %dma_wait3A_939 : memref<1x64x128xf32, #tpu.memory_space<hbm>> -> memref<64x128xf32, #tpu.memory_space<hbm>>
      %dma_wait3A_941 = arith.constant 0 : i32
      %dma_wait3A_942 = tpu.memref_slice %arg4[%dma_wait3A_937, %mul3A_2, %dma_wait3A_941] : memref<50x4096x128xf32, #tpu.memory_space<hbm>> -> memref<1x64x128xf32, #tpu.memory_space<hbm>>
      %dma_wait3A_943 = tpu.memref_squeeze %dma_wait3A_942 : memref<1x64x128xf32, #tpu.memory_space<hbm>> -> memref<64x128xf32, #tpu.memory_space<hbm>>
      tpu.wait_dma2 semaphore(%arg27 : memref<!tpu.dma_semaphore, #tpu.memory_space<semaphore_mem>>) src(%arg7 : memref<64x128xf32, #tpu.memory_space<vmem>>) dst(%dma_wait3A_943 : memref<64x128xf32, #tpu.memory_space<hbm>>)
      %add3A_944 = arith.constant 1 : i32
      %add3A_945 = arith.addi %scan3A_296, %add3A_944 : i32
      %mul3A_946 = arith.constant 10 : i32
      %mul3A_947 = arith.muli %add3A_945, %mul3A_946 : i32
      %add3A_948 = arith.constant 1 : i32
      %add3A_949 = arith.addi %mul3A_947, %add3A_948 : i32
      %jit3A_950 = arith.constant 2 : i32
      %div3A_951 = arith.divsi %add3A_949, %jit3A_950 : i32
      %sign3A_952 = arith.constant 0 : i32
      %sign3A_953 = arith.cmpi sgt, %add3A_949, %sign3A_952 : i32
      %sign3A_954 = arith.extui %sign3A_953 : i1 to i32
      %sign3A_955 = arith.constant 0 : i32
      %sign3A_956 = arith.cmpi slt, %add3A_949, %sign3A_955 : i32
      %sign3A_957 = arith.extui %sign3A_956 : i1 to i32
      %sign3A_958 = arith.subi %sign3A_954, %sign3A_957 : i32
      %sign3A_959 = arith.constant 0 : i32
      %sign3A_960 = arith.cmpi sgt, %jit3A_950, %sign3A_959 : i32
      %sign3A_961 = arith.extui %sign3A_960 : i1 to i32
      %sign3A_962 = arith.constant 0 : i32
      %sign3A_963 = arith.cmpi slt, %jit3A_950, %sign3A_962 : i32
      %sign3A_964 = arith.extui %sign3A_963 : i1 to i32
      %sign3A_965 = arith.subi %sign3A_961, %sign3A_964 : i32
      %ne3A_966 = arith.cmpi ne, %sign3A_958, %sign3A_965 : i32
      %rem3A_967 = arith.remsi %add3A_949, %jit3A_950 : i32
      %ne3A_968 = arith.constant 0 : i32
      %ne3A_969 = arith.cmpi ne, %rem3A_967, %ne3A_968 : i32
      %and3A_970 = arith.andi %ne3A_966, %ne3A_969 : i1
      %sub3A_971 = arith.constant 1 : i32
      %sub3A_972 = arith.subi %div3A_951, %sub3A_971 : i32
      %select_n3A_973 = arith.select %and3A_970, %sub3A_972, %div3A_951 : i32
      %jit3A_974 = arith.constant 2 : i32
      %eq3A_975 = arith.constant 0 : i32
      %eq3A_976 = arith.cmpi eq, %jit3A_974, %eq3A_975 : i32
      %jit3A_977 = arith.constant 1 : i32
      %select_n3A_978 = arith.select %eq3A_976, %jit3A_977, %jit3A_974 : i32
      %rem3A_979 = arith.remsi %add3A_949, %select_n3A_978 : i32
      %ne3A_980 = arith.constant 0 : i32
      %ne3A_981 = arith.cmpi ne, %rem3A_979, %ne3A_980 : i32
      %lt3A_982 = arith.constant 0 : i32
      %lt3A_983 = arith.cmpi slt, %rem3A_979, %lt3A_982 : i32
      %lt3A_984 = arith.constant 0 : i32
      %lt3A_985 = arith.cmpi slt, %select_n3A_978, %lt3A_984 : i32
      %ne3A_986 = arith.xori %lt3A_983, %lt3A_985 : i1
      %and3A_987 = arith.andi %ne3A_986, %ne3A_981 : i1
      %add3A_988 = arith.addi %rem3A_979, %select_n3A_978 : i32
      %select_n3A_989 = arith.select %and3A_987, %add3A_988, %rem3A_979 : i32
      %mul3A_990 = arith.constant 64 : i32
      %mul3A_991 = arith.muli %select_n3A_989, %mul3A_990 : i32
      %dma_start3A_992 = tpu.memref_slice %arg5[%select_n3A_973, %mul3A_991] : memref<50x128xi32, #tpu.memory_space<vmem>> -> memref<1x64xi32, #tpu.memory_space<vmem>>
      %dma_start3A_993 = tpu.memref_squeeze %dma_start3A_992 : memref<1x64xi32, #tpu.memory_space<vmem>> -> memref<64xi32, #tpu.memory_space<vmem>>
      %dma_start3A_994 = arith.constant 0 : i32
      %dma_start3A_995 = arith.constant 0 : i32
      %dma_start3A_996 = tpu.memref_slice %arg2[%dma_start3A_994, %dma_start3A_995] : memref<100000x128xf32, #tpu.memory_space<hbm>> -> memref<100000x128xf32, #tpu.memory_space<hbm>>
      tpu.enqueue_indirect_dma source(%dma_start3A_996 : memref<100000x128xf32, #tpu.memory_space<hbm>>) target(%arg7 : memref<64x128xf32, #tpu.memory_space<vmem>>) offsets(%dma_start3A_993 : memref<64xi32, #tpu.memory_space<vmem>>) semaphore(%arg17 : memref<!tpu.dma_semaphore, #tpu.memory_space<semaphore_mem>>)
      %dma_wait3A_997 = arith.constant 0 : i32
      %dma_wait3A_998 = arith.constant 0 : i32
      %dma_wait3A_999 = tpu.memref_slice %arg4[%dma_wait3A_997, %mul3A_2, %dma_wait3A_998] : memref<50x4096x128xf32, #tpu.memory_space<hbm>> -> memref<1x64x128xf32, #tpu.memory_space<hbm>>
      %dma_wait3A_1000 = tpu.memref_squeeze %dma_wait3A_999 : memref<1x64x128xf32, #tpu.memory_space<hbm>> -> memref<64x128xf32, #tpu.memory_space<hbm>>
      %dma_wait3A_1001 = arith.constant 0 : i32
      %dma_wait3A_1002 = tpu.memref_slice %arg4[%dma_wait3A_997, %mul3A_2, %dma_wait3A_1001] : memref<50x4096x128xf32, #tpu.memory_space<hbm>> -> memref<1x64x128xf32, #tpu.memory_space<hbm>>
      %dma_wait3A_1003 = tpu.memref_squeeze %dma_wait3A_1002 : memref<1x64x128xf32, #tpu.memory_space<hbm>> -> memref<64x128xf32, #tpu.memory_space<hbm>>
      tpu.wait_dma2 semaphore(%arg28 : memref<!tpu.dma_semaphore, #tpu.memory_space<semaphore_mem>>) src(%arg8 : memref<64x128xf32, #tpu.memory_space<vmem>>) dst(%dma_wait3A_1003 : memref<64x128xf32, #tpu.memory_space<hbm>>)
      %add3A_1004 = arith.constant 1 : i32
      %add3A_1005 = arith.addi %scan3A_296, %add3A_1004 : i32
      %mul3A_1006 = arith.constant 10 : i32
      %mul3A_1007 = arith.muli %add3A_1005, %mul3A_1006 : i32
      %add3A_1008 = arith.constant 2 : i32
      %add3A_1009 = arith.addi %mul3A_1007, %add3A_1008 : i32
      %jit3A_1010 = arith.constant 2 : i32
      %div3A_1011 = arith.divsi %add3A_1009, %jit3A_1010 : i32
      %sign3A_1012 = arith.constant 0 : i32
      %sign3A_1013 = arith.cmpi sgt, %add3A_1009, %sign3A_1012 : i32
      %sign3A_1014 = arith.extui %sign3A_1013 : i1 to i32
      %sign3A_1015 = arith.constant 0 : i32
      %sign3A_1016 = arith.cmpi slt, %add3A_1009, %sign3A_1015 : i32
      %sign3A_1017 = arith.extui %sign3A_1016 : i1 to i32
      %sign3A_1018 = arith.subi %sign3A_1014, %sign3A_1017 : i32
      %sign3A_1019 = arith.constant 0 : i32
      %sign3A_1020 = arith.cmpi sgt, %jit3A_1010, %sign3A_1019 : i32
      %sign3A_1021 = arith.extui %sign3A_1020 : i1 to i32
      %sign3A_1022 = arith.constant 0 : i32
      %sign3A_1023 = arith.cmpi slt, %jit3A_1010, %sign3A_1022 : i32
      %sign3A_1024 = arith.extui %sign3A_1023 : i1 to i32
      %sign3A_1025 = arith.subi %sign3A_1021, %sign3A_1024 : i32
      %ne3A_1026 = arith.cmpi ne, %sign3A_1018, %sign3A_1025 : i32
      %rem3A_1027 = arith.remsi %add3A_1009, %jit3A_1010 : i32
      %ne3A_1028 = arith.constant 0 : i32
      %ne3A_1029 = arith.cmpi ne, %rem3A_1027, %ne3A_1028 : i32
      %and3A_1030 = arith.andi %ne3A_1026, %ne3A_1029 : i1
      %sub3A_1031 = arith.constant 1 : i32
      %sub3A_1032 = arith.subi %div3A_1011, %sub3A_1031 : i32
      %select_n3A_1033 = arith.select %and3A_1030, %sub3A_1032, %div3A_1011 : i32
      %jit3A_1034 = arith.constant 2 : i32
      %eq3A_1035 = arith.constant 0 : i32
      %eq3A_1036 = arith.cmpi eq, %jit3A_1034, %eq3A_1035 : i32
      %jit3A_1037 = arith.constant 1 : i32
      %select_n3A_1038 = arith.select %eq3A_1036, %jit3A_1037, %jit3A_1034 : i32
      %rem3A_1039 = arith.remsi %add3A_1009, %select_n3A_1038 : i32
      %ne3A_1040 = arith.constant 0 : i32
      %ne3A_1041 = arith.cmpi ne, %rem3A_1039, %ne3A_1040 : i32
      %lt3A_1042 = arith.constant 0 : i32
      %lt3A_1043 = arith.cmpi slt, %rem3A_1039, %lt3A_1042 : i32
      %lt3A_1044 = arith.constant 0 : i32
      %lt3A_1045 = arith.cmpi slt, %select_n3A_1038, %lt3A_1044 : i32
      %ne3A_1046 = arith.xori %lt3A_1043, %lt3A_1045 : i1
      %and3A_1047 = arith.andi %ne3A_1046, %ne3A_1041 : i1
      %add3A_1048 = arith.addi %rem3A_1039, %select_n3A_1038 : i32
      %select_n3A_1049 = arith.select %and3A_1047, %add3A_1048, %rem3A_1039 : i32
      %mul3A_1050 = arith.constant 64 : i32
      %mul3A_1051 = arith.muli %select_n3A_1049, %mul3A_1050 : i32
      %dma_start3A_1052 = tpu.memref_slice %arg5[%select_n3A_1033, %mul3A_1051] : memref<50x128xi32, #tpu.memory_space<vmem>> -> memref<1x64xi32, #tpu.memory_space<vmem>>
      %dma_start3A_1053 = tpu.memref_squeeze %dma_start3A_1052 : memref<1x64xi32, #tpu.memory_space<vmem>> -> memref<64xi32, #tpu.memory_space<vmem>>
      %dma_start3A_1054 = arith.constant 0 : i32
      %dma_start3A_1055 = arith.constant 0 : i32
      %dma_start3A_1056 = tpu.memref_slice %arg2[%dma_start3A_1054, %dma_start3A_1055] : memref<100000x128xf32, #tpu.memory_space<hbm>> -> memref<100000x128xf32, #tpu.memory_space<hbm>>
      tpu.enqueue_indirect_dma source(%dma_start3A_1056 : memref<100000x128xf32, #tpu.memory_space<hbm>>) target(%arg8 : memref<64x128xf32, #tpu.memory_space<vmem>>) offsets(%dma_start3A_1053 : memref<64xi32, #tpu.memory_space<vmem>>) semaphore(%arg18 : memref<!tpu.dma_semaphore, #tpu.memory_space<semaphore_mem>>)
      %dma_wait3A_1057 = arith.constant 0 : i32
      %dma_wait3A_1058 = arith.constant 0 : i32
      %dma_wait3A_1059 = tpu.memref_slice %arg4[%dma_wait3A_1057, %mul3A_2, %dma_wait3A_1058] : memref<50x4096x128xf32, #tpu.memory_space<hbm>> -> memref<1x64x128xf32, #tpu.memory_space<hbm>>
      %dma_wait3A_1060 = tpu.memref_squeeze %dma_wait3A_1059 : memref<1x64x128xf32, #tpu.memory_space<hbm>> -> memref<64x128xf32, #tpu.memory_space<hbm>>
      %dma_wait3A_1061 = arith.constant 0 : i32
      %dma_wait3A_1062 = tpu.memref_slice %arg4[%dma_wait3A_1057, %mul3A_2, %dma_wait3A_1061] : memref<50x4096x128xf32, #tpu.memory_space<hbm>> -> memref<1x64x128xf32, #tpu.memory_space<hbm>>
      %dma_wait3A_1063 = tpu.memref_squeeze %dma_wait3A_1062 : memref<1x64x128xf32, #tpu.memory_space<hbm>> -> memref<64x128xf32, #tpu.memory_space<hbm>>
      tpu.wait_dma2 semaphore(%arg29 : memref<!tpu.dma_semaphore, #tpu.memory_space<semaphore_mem>>) src(%arg9 : memref<64x128xf32, #tpu.memory_space<vmem>>) dst(%dma_wait3A_1063 : memref<64x128xf32, #tpu.memory_space<hbm>>)
      %add3A_1064 = arith.constant 1 : i32
      %add3A_1065 = arith.addi %scan3A_296, %add3A_1064 : i32
      %mul3A_1066 = arith.constant 10 : i32
      %mul3A_1067 = arith.muli %add3A_1065, %mul3A_1066 : i32
      %add3A_1068 = arith.constant 3 : i32
      %add3A_1069 = arith.addi %mul3A_1067, %add3A_1068 : i32
      %jit3A_1070 = arith.constant 2 : i32
      %div3A_1071 = arith.divsi %add3A_1069, %jit3A_1070 : i32
      %sign3A_1072 = arith.constant 0 : i32
      %sign3A_1073 = arith.cmpi sgt, %add3A_1069, %sign3A_1072 : i32
      %sign3A_1074 = arith.extui %sign3A_1073 : i1 to i32
      %sign3A_1075 = arith.constant 0 : i32
      %sign3A_1076 = arith.cmpi slt, %add3A_1069, %sign3A_1075 : i32
      %sign3A_1077 = arith.extui %sign3A_1076 : i1 to i32
      %sign3A_1078 = arith.subi %sign3A_1074, %sign3A_1077 : i32
      %sign3A_1079 = arith.constant 0 : i32
      %sign3A_1080 = arith.cmpi sgt, %jit3A_1070, %sign3A_1079 : i32
      %sign3A_1081 = arith.extui %sign3A_1080 : i1 to i32
      %sign3A_1082 = arith.constant 0 : i32
      %sign3A_1083 = arith.cmpi slt, %jit3A_1070, %sign3A_1082 : i32
      %sign3A_1084 = arith.extui %sign3A_1083 : i1 to i32
      %sign3A_1085 = arith.subi %sign3A_1081, %sign3A_1084 : i32
      %ne3A_1086 = arith.cmpi ne, %sign3A_1078, %sign3A_1085 : i32
      %rem3A_1087 = arith.remsi %add3A_1069, %jit3A_1070 : i32
      %ne3A_1088 = arith.constant 0 : i32
      %ne3A_1089 = arith.cmpi ne, %rem3A_1087, %ne3A_1088 : i32
      %and3A_1090 = arith.andi %ne3A_1086, %ne3A_1089 : i1
      %sub3A_1091 = arith.constant 1 : i32
      %sub3A_1092 = arith.subi %div3A_1071, %sub3A_1091 : i32
      %select_n3A_1093 = arith.select %and3A_1090, %sub3A_1092, %div3A_1071 : i32
      %jit3A_1094 = arith.constant 2 : i32
      %eq3A_1095 = arith.constant 0 : i32
      %eq3A_1096 = arith.cmpi eq, %jit3A_1094, %eq3A_1095 : i32
      %jit3A_1097 = arith.constant 1 : i32
      %select_n3A_1098 = arith.select %eq3A_1096, %jit3A_1097, %jit3A_1094 : i32
      %rem3A_1099 = arith.remsi %add3A_1069, %select_n3A_1098 : i32
      %ne3A_1100 = arith.constant 0 : i32
      %ne3A_1101 = arith.cmpi ne, %rem3A_1099, %ne3A_1100 : i32
      %lt3A_1102 = arith.constant 0 : i32
      %lt3A_1103 = arith.cmpi slt, %rem3A_1099, %lt3A_1102 : i32
      %lt3A_1104 = arith.constant 0 : i32
      %lt3A_1105 = arith.cmpi slt, %select_n3A_1098, %lt3A_1104 : i32
      %ne3A_1106 = arith.xori %lt3A_1103, %lt3A_1105 : i1
      %and3A_1107 = arith.andi %ne3A_1106, %ne3A_1101 : i1
      %add3A_1108 = arith.addi %rem3A_1099, %select_n3A_1098 : i32
      %select_n3A_1109 = arith.select %and3A_1107, %add3A_1108, %rem3A_1099 : i32
      %mul3A_1110 = arith.constant 64 : i32
      %mul3A_1111 = arith.muli %select_n3A_1109, %mul3A_1110 : i32
      %dma_start3A_1112 = tpu.memref_slice %arg5[%select_n3A_1093, %mul3A_1111] : memref<50x128xi32, #tpu.memory_space<vmem>> -> memref<1x64xi32, #tpu.memory_space<vmem>>
      %dma_start3A_1113 = tpu.memref_squeeze %dma_start3A_1112 : memref<1x64xi32, #tpu.memory_space<vmem>> -> memref<64xi32, #tpu.memory_space<vmem>>
      %dma_start3A_1114 = arith.constant 0 : i32
      %dma_start3A_1115 = arith.constant 0 : i32
      %dma_start3A_1116 = tpu.memref_slice %arg2[%dma_start3A_1114, %dma_start3A_1115] : memref<100000x128xf32, #tpu.memory_space<hbm>> -> memref<100000x128xf32, #tpu.memory_space<hbm>>
      tpu.enqueue_indirect_dma source(%dma_start3A_1116 : memref<100000x128xf32, #tpu.memory_space<hbm>>) target(%arg9 : memref<64x128xf32, #tpu.memory_space<vmem>>) offsets(%dma_start3A_1113 : memref<64xi32, #tpu.memory_space<vmem>>) semaphore(%arg19 : memref<!tpu.dma_semaphore, #tpu.memory_space<semaphore_mem>>)
      %dma_wait3A_1117 = arith.constant 0 : i32
      %dma_wait3A_1118 = arith.constant 0 : i32
      %dma_wait3A_1119 = tpu.memref_slice %arg4[%dma_wait3A_1117, %mul3A_2, %dma_wait3A_1118] : memref<50x4096x128xf32, #tpu.memory_space<hbm>> -> memref<1x64x128xf32, #tpu.memory_space<hbm>>
      %dma_wait3A_1120 = tpu.memref_squeeze %dma_wait3A_1119 : memref<1x64x128xf32, #tpu.memory_space<hbm>> -> memref<64x128xf32, #tpu.memory_space<hbm>>
      %dma_wait3A_1121 = arith.constant 0 : i32
      %dma_wait3A_1122 = tpu.memref_slice %arg4[%dma_wait3A_1117, %mul3A_2, %dma_wait3A_1121] : memref<50x4096x128xf32, #tpu.memory_space<hbm>> -> memref<1x64x128xf32, #tpu.memory_space<hbm>>
      %dma_wait3A_1123 = tpu.memref_squeeze %dma_wait3A_1122 : memref<1x64x128xf32, #tpu.memory_space<hbm>> -> memref<64x128xf32, #tpu.memory_space<hbm>>
      tpu.wait_dma2 semaphore(%arg30 : memref<!tpu.dma_semaphore, #tpu.memory_space<semaphore_mem>>) src(%arg10 : memref<64x128xf32, #tpu.memory_space<vmem>>) dst(%dma_wait3A_1123 : memref<64x128xf32, #tpu.memory_space<hbm>>)
      %add3A_1124 = arith.constant 1 : i32
      %add3A_1125 = arith.addi %scan3A_296, %add3A_1124 : i32
      %mul3A_1126 = arith.constant 10 : i32
      %mul3A_1127 = arith.muli %add3A_1125, %mul3A_1126 : i32
      %add3A_1128 = arith.constant 4 : i32
      %add3A_1129 = arith.addi %mul3A_1127, %add3A_1128 : i32
      %jit3A_1130 = arith.constant 2 : i32
      %div3A_1131 = arith.divsi %add3A_1129, %jit3A_1130 : i32
      %sign3A_1132 = arith.constant 0 : i32
      %sign3A_1133 = arith.cmpi sgt, %add3A_1129, %sign3A_1132 : i32
      %sign3A_1134 = arith.extui %sign3A_1133 : i1 to i32
      %sign3A_1135 = arith.constant 0 : i32
      %sign3A_1136 = arith.cmpi slt, %add3A_1129, %sign3A_1135 : i32
      %sign3A_1137 = arith.extui %sign3A_1136 : i1 to i32
      %sign3A_1138 = arith.subi %sign3A_1134, %sign3A_1137 : i32
      %sign3A_1139 = arith.constant 0 : i32
      %sign3A_1140 = arith.cmpi sgt, %jit3A_1130, %sign3A_1139 : i32
      %sign3A_1141 = arith.extui %sign3A_1140 : i1 to i32
      %sign3A_1142 = arith.constant 0 : i32
      %sign3A_1143 = arith.cmpi slt, %jit3A_1130, %sign3A_1142 : i32
      %sign3A_1144 = arith.extui %sign3A_1143 : i1 to i32
      %sign3A_1145 = arith.subi %sign3A_1141, %sign3A_1144 : i32
      %ne3A_1146 = arith.cmpi ne, %sign3A_1138, %sign3A_1145 : i32
      %rem3A_1147 = arith.remsi %add3A_1129, %jit3A_1130 : i32
      %ne3A_1148 = arith.constant 0 : i32
      %ne3A_1149 = arith.cmpi ne, %rem3A_1147, %ne3A_1148 : i32
      %and3A_1150 = arith.andi %ne3A_1146, %ne3A_1149 : i1
      %sub3A_1151 = arith.constant 1 : i32
      %sub3A_1152 = arith.subi %div3A_1131, %sub3A_1151 : i32
      %select_n3A_1153 = arith.select %and3A_1150, %sub3A_1152, %div3A_1131 : i32
      %jit3A_1154 = arith.constant 2 : i32
      %eq3A_1155 = arith.constant 0 : i32
      %eq3A_1156 = arith.cmpi eq, %jit3A_1154, %eq3A_1155 : i32
      %jit3A_1157 = arith.constant 1 : i32
      %select_n3A_1158 = arith.select %eq3A_1156, %jit3A_1157, %jit3A_1154 : i32
      %rem3A_1159 = arith.remsi %add3A_1129, %select_n3A_1158 : i32
      %ne3A_1160 = arith.constant 0 : i32
      %ne3A_1161 = arith.cmpi ne, %rem3A_1159, %ne3A_1160 : i32
      %lt3A_1162 = arith.constant 0 : i32
      %lt3A_1163 = arith.cmpi slt, %rem3A_1159, %lt3A_1162 : i32
      %lt3A_1164 = arith.constant 0 : i32
      %lt3A_1165 = arith.cmpi slt, %select_n3A_1158, %lt3A_1164 : i32
      %ne3A_1166 = arith.xori %lt3A_1163, %lt3A_1165 : i1
      %and3A_1167 = arith.andi %ne3A_1166, %ne3A_1161 : i1
      %add3A_1168 = arith.addi %rem3A_1159, %select_n3A_1158 : i32
      %select_n3A_1169 = arith.select %and3A_1167, %add3A_1168, %rem3A_1159 : i32
      %mul3A_1170 = arith.constant 64 : i32
      %mul3A_1171 = arith.muli %select_n3A_1169, %mul3A_1170 : i32
      %dma_start3A_1172 = tpu.memref_slice %arg5[%select_n3A_1153, %mul3A_1171] : memref<50x128xi32, #tpu.memory_space<vmem>> -> memref<1x64xi32, #tpu.memory_space<vmem>>
      %dma_start3A_1173 = tpu.memref_squeeze %dma_start3A_1172 : memref<1x64xi32, #tpu.memory_space<vmem>> -> memref<64xi32, #tpu.memory_space<vmem>>
      %dma_start3A_1174 = arith.constant 0 : i32
      %dma_start3A_1175 = arith.constant 0 : i32
      %dma_start3A_1176 = tpu.memref_slice %arg2[%dma_start3A_1174, %dma_start3A_1175] : memref<100000x128xf32, #tpu.memory_space<hbm>> -> memref<100000x128xf32, #tpu.memory_space<hbm>>
      tpu.enqueue_indirect_dma source(%dma_start3A_1176 : memref<100000x128xf32, #tpu.memory_space<hbm>>) target(%arg10 : memref<64x128xf32, #tpu.memory_space<vmem>>) offsets(%dma_start3A_1173 : memref<64xi32, #tpu.memory_space<vmem>>) semaphore(%arg20 : memref<!tpu.dma_semaphore, #tpu.memory_space<semaphore_mem>>)
      %dma_wait3A_1177 = arith.constant 0 : i32
      %dma_wait3A_1178 = arith.constant 0 : i32
      %dma_wait3A_1179 = tpu.memref_slice %arg4[%dma_wait3A_1177, %mul3A_2, %dma_wait3A_1178] : memref<50x4096x128xf32, #tpu.memory_space<hbm>> -> memref<1x64x128xf32, #tpu.memory_space<hbm>>
      %dma_wait3A_1180 = tpu.memref_squeeze %dma_wait3A_1179 : memref<1x64x128xf32, #tpu.memory_space<hbm>> -> memref<64x128xf32, #tpu.memory_space<hbm>>
      %dma_wait3A_1181 = arith.constant 0 : i32
      %dma_wait3A_1182 = tpu.memref_slice %arg4[%dma_wait3A_1177, %mul3A_2, %dma_wait3A_1181] : memref<50x4096x128xf32, #tpu.memory_space<hbm>> -> memref<1x64x128xf32, #tpu.memory_space<hbm>>
      %dma_wait3A_1183 = tpu.memref_squeeze %dma_wait3A_1182 : memref<1x64x128xf32, #tpu.memory_space<hbm>> -> memref<64x128xf32, #tpu.memory_space<hbm>>
      tpu.wait_dma2 semaphore(%arg31 : memref<!tpu.dma_semaphore, #tpu.memory_space<semaphore_mem>>) src(%arg11 : memref<64x128xf32, #tpu.memory_space<vmem>>) dst(%dma_wait3A_1183 : memref<64x128xf32, #tpu.memory_space<hbm>>)
      %add3A_1184 = arith.constant 1 : i32
      %add3A_1185 = arith.addi %scan3A_296, %add3A_1184 : i32
      %mul3A_1186 = arith.constant 10 : i32
      %mul3A_1187 = arith.muli %add3A_1185, %mul3A_1186 : i32
      %add3A_1188 = arith.constant 5 : i32
      %add3A_1189 = arith.addi %mul3A_1187, %add3A_1188 : i32
      %jit3A_1190 = arith.constant 2 : i32
      %div3A_1191 = arith.divsi %add3A_1189, %jit3A_1190 : i32
      %sign3A_1192 = arith.constant 0 : i32
      %sign3A_1193 = arith.cmpi sgt, %add3A_1189, %sign3A_1192 : i32
      %sign3A_1194 = arith.extui %sign3A_1193 : i1 to i32
      %sign3A_1195 = arith.constant 0 : i32
      %sign3A_1196 = arith.cmpi slt, %add3A_1189, %sign3A_1195 : i32
      %sign3A_1197 = arith.extui %sign3A_1196 : i1 to i32
      %sign3A_1198 = arith.subi %sign3A_1194, %sign3A_1197 : i32
      %sign3A_1199 = arith.constant 0 : i32
      %sign3A_1200 = arith.cmpi sgt, %jit3A_1190, %sign3A_1199 : i32
      %sign3A_1201 = arith.extui %sign3A_1200 : i1 to i32
      %sign3A_1202 = arith.constant 0 : i32
      %sign3A_1203 = arith.cmpi slt, %jit3A_1190, %sign3A_1202 : i32
      %sign3A_1204 = arith.extui %sign3A_1203 : i1 to i32
      %sign3A_1205 = arith.subi %sign3A_1201, %sign3A_1204 : i32
      %ne3A_1206 = arith.cmpi ne, %sign3A_1198, %sign3A_1205 : i32
      %rem3A_1207 = arith.remsi %add3A_1189, %jit3A_1190 : i32
      %ne3A_1208 = arith.constant 0 : i32
      %ne3A_1209 = arith.cmpi ne, %rem3A_1207, %ne3A_1208 : i32
      %and3A_1210 = arith.andi %ne3A_1206, %ne3A_1209 : i1
      %sub3A_1211 = arith.constant 1 : i32
      %sub3A_1212 = arith.subi %div3A_1191, %sub3A_1211 : i32
      %select_n3A_1213 = arith.select %and3A_1210, %sub3A_1212, %div3A_1191 : i32
      %jit3A_1214 = arith.constant 2 : i32
      %eq3A_1215 = arith.constant 0 : i32
      %eq3A_1216 = arith.cmpi eq, %jit3A_1214, %eq3A_1215 : i32
      %jit3A_1217 = arith.constant 1 : i32
      %select_n3A_1218 = arith.select %eq3A_1216, %jit3A_1217, %jit3A_1214 : i32
      %rem3A_1219 = arith.remsi %add3A_1189, %select_n3A_1218 : i32
      %ne3A_1220 = arith.constant 0 : i32
      %ne3A_1221 = arith.cmpi ne, %rem3A_1219, %ne3A_1220 : i32
      %lt3A_1222 = arith.constant 0 : i32
      %lt3A_1223 = arith.cmpi slt, %rem3A_1219, %lt3A_1222 : i32
      %lt3A_1224 = arith.constant 0 : i32
      %lt3A_1225 = arith.cmpi slt, %select_n3A_1218, %lt3A_1224 : i32
      %ne3A_1226 = arith.xori %lt3A_1223, %lt3A_1225 : i1
      %and3A_1227 = arith.andi %ne3A_1226, %ne3A_1221 : i1
      %add3A_1228 = arith.addi %rem3A_1219, %select_n3A_1218 : i32
      %select_n3A_1229 = arith.select %and3A_1227, %add3A_1228, %rem3A_1219 : i32
      %mul3A_1230 = arith.constant 64 : i32
      %mul3A_1231 = arith.muli %select_n3A_1229, %mul3A_1230 : i32
      %dma_start3A_1232 = tpu.memref_slice %arg5[%select_n3A_1213, %mul3A_1231] : memref<50x128xi32, #tpu.memory_space<vmem>> -> memref<1x64xi32, #tpu.memory_space<vmem>>
      %dma_start3A_1233 = tpu.memref_squeeze %dma_start3A_1232 : memref<1x64xi32, #tpu.memory_space<vmem>> -> memref<64xi32, #tpu.memory_space<vmem>>
      %dma_start3A_1234 = arith.constant 0 : i32
      %dma_start3A_1235 = arith.constant 0 : i32
      %dma_start3A_1236 = tpu.memref_slice %arg2[%dma_start3A_1234, %dma_start3A_1235] : memref<100000x128xf32, #tpu.memory_space<hbm>> -> memref<100000x128xf32, #tpu.memory_space<hbm>>
      tpu.enqueue_indirect_dma source(%dma_start3A_1236 : memref<100000x128xf32, #tpu.memory_space<hbm>>) target(%arg11 : memref<64x128xf32, #tpu.memory_space<vmem>>) offsets(%dma_start3A_1233 : memref<64xi32, #tpu.memory_space<vmem>>) semaphore(%arg21 : memref<!tpu.dma_semaphore, #tpu.memory_space<semaphore_mem>>)
      %dma_wait3A_1237 = arith.constant 0 : i32
      %dma_wait3A_1238 = arith.constant 0 : i32
      %dma_wait3A_1239 = tpu.memref_slice %arg4[%dma_wait3A_1237, %mul3A_2, %dma_wait3A_1238] : memref<50x4096x128xf32, #tpu.memory_space<hbm>> -> memref<1x64x128xf32, #tpu.memory_space<hbm>>
      %dma_wait3A_1240 = tpu.memref_squeeze %dma_wait3A_1239 : memref<1x64x128xf32, #tpu.memory_space<hbm>> -> memref<64x128xf32, #tpu.memory_space<hbm>>
      %dma_wait3A_1241 = arith.constant 0 : i32
      %dma_wait3A_1242 = tpu.memref_slice %arg4[%dma_wait3A_1237, %mul3A_2, %dma_wait3A_1241] : memref<50x4096x128xf32, #tpu.memory_space<hbm>> -> memref<1x64x128xf32, #tpu.memory_space<hbm>>
      %dma_wait3A_1243 = tpu.memref_squeeze %dma_wait3A_1242 : memref<1x64x128xf32, #tpu.memory_space<hbm>> -> memref<64x128xf32, #tpu.memory_space<hbm>>
      tpu.wait_dma2 semaphore(%arg32 : memref<!tpu.dma_semaphore, #tpu.memory_space<semaphore_mem>>) src(%arg12 : memref<64x128xf32, #tpu.memory_space<vmem>>) dst(%dma_wait3A_1243 : memref<64x128xf32, #tpu.memory_space<hbm>>)
      %add3A_1244 = arith.constant 1 : i32
      %add3A_1245 = arith.addi %scan3A_296, %add3A_1244 : i32
      %mul3A_1246 = arith.constant 10 : i32
      %mul3A_1247 = arith.muli %add3A_1245, %mul3A_1246 : i32
      %add3A_1248 = arith.constant 6 : i32
      %add3A_1249 = arith.addi %mul3A_1247, %add3A_1248 : i32
      %jit3A_1250 = arith.constant 2 : i32
      %div3A_1251 = arith.divsi %add3A_1249, %jit3A_1250 : i32
      %sign3A_1252 = arith.constant 0 : i32
      %sign3A_1253 = arith.cmpi sgt, %add3A_1249, %sign3A_1252 : i32
      %sign3A_1254 = arith.extui %sign3A_1253 : i1 to i32
      %sign3A_1255 = arith.constant 0 : i32
      %sign3A_1256 = arith.cmpi slt, %add3A_1249, %sign3A_1255 : i32
      %sign3A_1257 = arith.extui %sign3A_1256 : i1 to i32
      %sign3A_1258 = arith.subi %sign3A_1254, %sign3A_1257 : i32
      %sign3A_1259 = arith.constant 0 : i32
      %sign3A_1260 = arith.cmpi sgt, %jit3A_1250, %sign3A_1259 : i32
      %sign3A_1261 = arith.extui %sign3A_1260 : i1 to i32
      %sign3A_1262 = arith.constant 0 : i32
      %sign3A_1263 = arith.cmpi slt, %jit3A_1250, %sign3A_1262 : i32
      %sign3A_1264 = arith.extui %sign3A_1263 : i1 to i32
      %sign3A_1265 = arith.subi %sign3A_1261, %sign3A_1264 : i32
      %ne3A_1266 = arith.cmpi ne, %sign3A_1258, %sign3A_1265 : i32
      %rem3A_1267 = arith.remsi %add3A_1249, %jit3A_1250 : i32
      %ne3A_1268 = arith.constant 0 : i32
      %ne3A_1269 = arith.cmpi ne, %rem3A_1267, %ne3A_1268 : i32
      %and3A_1270 = arith.andi %ne3A_1266, %ne3A_1269 : i1
      %sub3A_1271 = arith.constant 1 : i32
      %sub3A_1272 = arith.subi %div3A_1251, %sub3A_1271 : i32
      %select_n3A_1273 = arith.select %and3A_1270, %sub3A_1272, %div3A_1251 : i32
      %jit3A_1274 = arith.constant 2 : i32
      %eq3A_1275 = arith.constant 0 : i32
      %eq3A_1276 = arith.cmpi eq, %jit3A_1274, %eq3A_1275 : i32
      %jit3A_1277 = arith.constant 1 : i32
      %select_n3A_1278 = arith.select %eq3A_1276, %jit3A_1277, %jit3A_1274 : i32
      %rem3A_1279 = arith.remsi %add3A_1249, %select_n3A_1278 : i32
      %ne3A_1280 = arith.constant 0 : i32
      %ne3A_1281 = arith.cmpi ne, %rem3A_1279, %ne3A_1280 : i32
      %lt3A_1282 = arith.constant 0 : i32
      %lt3A_1283 = arith.cmpi slt, %rem3A_1279, %lt3A_1282 : i32
      %lt3A_1284 = arith.constant 0 : i32
      %lt3A_1285 = arith.cmpi slt, %select_n3A_1278, %lt3A_1284 : i32
      %ne3A_1286 = arith.xori %lt3A_1283, %lt3A_1285 : i1
      %and3A_1287 = arith.andi %ne3A_1286, %ne3A_1281 : i1
      %add3A_1288 = arith.addi %rem3A_1279, %select_n3A_1278 : i32
      %select_n3A_1289 = arith.select %and3A_1287, %add3A_1288, %rem3A_1279 : i32
      %mul3A_1290 = arith.constant 64 : i32
      %mul3A_1291 = arith.muli %select_n3A_1289, %mul3A_1290 : i32
      %dma_start3A_1292 = tpu.memref_slice %arg5[%select_n3A_1273, %mul3A_1291] : memref<50x128xi32, #tpu.memory_space<vmem>> -> memref<1x64xi32, #tpu.memory_space<vmem>>
      %dma_start3A_1293 = tpu.memref_squeeze %dma_start3A_1292 : memref<1x64xi32, #tpu.memory_space<vmem>> -> memref<64xi32, #tpu.memory_space<vmem>>
      %dma_start3A_1294 = arith.constant 0 : i32
      %dma_start3A_1295 = arith.constant 0 : i32
      %dma_start3A_1296 = tpu.memref_slice %arg2[%dma_start3A_1294, %dma_start3A_1295] : memref<100000x128xf32, #tpu.memory_space<hbm>> -> memref<100000x128xf32, #tpu.memory_space<hbm>>
      tpu.enqueue_indirect_dma source(%dma_start3A_1296 : memref<100000x128xf32, #tpu.memory_space<hbm>>) target(%arg12 : memref<64x128xf32, #tpu.memory_space<vmem>>) offsets(%dma_start3A_1293 : memref<64xi32, #tpu.memory_space<vmem>>) semaphore(%arg22 : memref<!tpu.dma_semaphore, #tpu.memory_space<semaphore_mem>>)
      %dma_wait3A_1297 = arith.constant 0 : i32
      %dma_wait3A_1298 = arith.constant 0 : i32
      %dma_wait3A_1299 = tpu.memref_slice %arg4[%dma_wait3A_1297, %mul3A_2, %dma_wait3A_1298] : memref<50x4096x128xf32, #tpu.memory_space<hbm>> -> memref<1x64x128xf32, #tpu.memory_space<hbm>>
      %dma_wait3A_1300 = tpu.memref_squeeze %dma_wait3A_1299 : memref<1x64x128xf32, #tpu.memory_space<hbm>> -> memref<64x128xf32, #tpu.memory_space<hbm>>
      %dma_wait3A_1301 = arith.constant 0 : i32
      %dma_wait3A_1302 = tpu.memref_slice %arg4[%dma_wait3A_1297, %mul3A_2, %dma_wait3A_1301] : memref<50x4096x128xf32, #tpu.memory_space<hbm>> -> memref<1x64x128xf32, #tpu.memory_space<hbm>>
      %dma_wait3A_1303 = tpu.memref_squeeze %dma_wait3A_1302 : memref<1x64x128xf32, #tpu.memory_space<hbm>> -> memref<64x128xf32, #tpu.memory_space<hbm>>
      tpu.wait_dma2 semaphore(%arg33 : memref<!tpu.dma_semaphore, #tpu.memory_space<semaphore_mem>>) src(%arg13 : memref<64x128xf32, #tpu.memory_space<vmem>>) dst(%dma_wait3A_1303 : memref<64x128xf32, #tpu.memory_space<hbm>>)
      %add3A_1304 = arith.constant 1 : i32
      %add3A_1305 = arith.addi %scan3A_296, %add3A_1304 : i32
      %mul3A_1306 = arith.constant 10 : i32
      %mul3A_1307 = arith.muli %add3A_1305, %mul3A_1306 : i32
      %add3A_1308 = arith.constant 7 : i32
      %add3A_1309 = arith.addi %mul3A_1307, %add3A_1308 : i32
      %jit3A_1310 = arith.constant 2 : i32
      %div3A_1311 = arith.divsi %add3A_1309, %jit3A_1310 : i32
      %sign3A_1312 = arith.constant 0 : i32
      %sign3A_1313 = arith.cmpi sgt, %add3A_1309, %sign3A_1312 : i32
      %sign3A_1314 = arith.extui %sign3A_1313 : i1 to i32
      %sign3A_1315 = arith.constant 0 : i32
      %sign3A_1316 = arith.cmpi slt, %add3A_1309, %sign3A_1315 : i32
      %sign3A_1317 = arith.extui %sign3A_1316 : i1 to i32
      %sign3A_1318 = arith.subi %sign3A_1314, %sign3A_1317 : i32
      %sign3A_1319 = arith.constant 0 : i32
      %sign3A_1320 = arith.cmpi sgt, %jit3A_1310, %sign3A_1319 : i32
      %sign3A_1321 = arith.extui %sign3A_1320 : i1 to i32
      %sign3A_1322 = arith.constant 0 : i32
      %sign3A_1323 = arith.cmpi slt, %jit3A_1310, %sign3A_1322 : i32
      %sign3A_1324 = arith.extui %sign3A_1323 : i1 to i32
      %sign3A_1325 = arith.subi %sign3A_1321, %sign3A_1324 : i32
      %ne3A_1326 = arith.cmpi ne, %sign3A_1318, %sign3A_1325 : i32
      %rem3A_1327 = arith.remsi %add3A_1309, %jit3A_1310 : i32
      %ne3A_1328 = arith.constant 0 : i32
      %ne3A_1329 = arith.cmpi ne, %rem3A_1327, %ne3A_1328 : i32
      %and3A_1330 = arith.andi %ne3A_1326, %ne3A_1329 : i1
      %sub3A_1331 = arith.constant 1 : i32
      %sub3A_1332 = arith.subi %div3A_1311, %sub3A_1331 : i32
      %select_n3A_1333 = arith.select %and3A_1330, %sub3A_1332, %div3A_1311 : i32
      %jit3A_1334 = arith.constant 2 : i32
      %eq3A_1335 = arith.constant 0 : i32
      %eq3A_1336 = arith.cmpi eq, %jit3A_1334, %eq3A_1335 : i32
      %jit3A_1337 = arith.constant 1 : i32
      %select_n3A_1338 = arith.select %eq3A_1336, %jit3A_1337, %jit3A_1334 : i32
      %rem3A_1339 = arith.remsi %add3A_1309, %select_n3A_1338 : i32
      %ne3A_1340 = arith.constant 0 : i32
      %ne3A_1341 = arith.cmpi ne, %rem3A_1339, %ne3A_1340 : i32
      %lt3A_1342 = arith.constant 0 : i32
      %lt3A_1343 = arith.cmpi slt, %rem3A_1339, %lt3A_1342 : i32
      %lt3A_1344 = arith.constant 0 : i32
      %lt3A_1345 = arith.cmpi slt, %select_n3A_1338, %lt3A_1344 : i32
      %ne3A_1346 = arith.xori %lt3A_1343, %lt3A_1345 : i1
      %and3A_1347 = arith.andi %ne3A_1346, %ne3A_1341 : i1
      %add3A_1348 = arith.addi %rem3A_1339, %select_n3A_1338 : i32
      %select_n3A_1349 = arith.select %and3A_1347, %add3A_1348, %rem3A_1339 : i32
      %mul3A_1350 = arith.constant 64 : i32
      %mul3A_1351 = arith.muli %select_n3A_1349, %mul3A_1350 : i32
      %dma_start3A_1352 = tpu.memref_slice %arg5[%select_n3A_1333, %mul3A_1351] : memref<50x128xi32, #tpu.memory_space<vmem>> -> memref<1x64xi32, #tpu.memory_space<vmem>>
      %dma_start3A_1353 = tpu.memref_squeeze %dma_start3A_1352 : memref<1x64xi32, #tpu.memory_space<vmem>> -> memref<64xi32, #tpu.memory_space<vmem>>
      %dma_start3A_1354 = arith.constant 0 : i32
      %dma_start3A_1355 = arith.constant 0 : i32
      %dma_start3A_1356 = tpu.memref_slice %arg2[%dma_start3A_1354, %dma_start3A_1355] : memref<100000x128xf32, #tpu.memory_space<hbm>> -> memref<100000x128xf32, #tpu.memory_space<hbm>>
      tpu.enqueue_indirect_dma source(%dma_start3A_1356 : memref<100000x128xf32, #tpu.memory_space<hbm>>) target(%arg13 : memref<64x128xf32, #tpu.memory_space<vmem>>) offsets(%dma_start3A_1353 : memref<64xi32, #tpu.memory_space<vmem>>) semaphore(%arg23 : memref<!tpu.dma_semaphore, #tpu.memory_space<semaphore_mem>>)
      %dma_wait3A_1357 = arith.constant 0 : i32
      %dma_wait3A_1358 = arith.constant 0 : i32
      %dma_wait3A_1359 = tpu.memref_slice %arg4[%dma_wait3A_1357, %mul3A_2, %dma_wait3A_1358] : memref<50x4096x128xf32, #tpu.memory_space<hbm>> -> memref<1x64x128xf32, #tpu.memory_space<hbm>>
      %dma_wait3A_1360 = tpu.memref_squeeze %dma_wait3A_1359 : memref<1x64x128xf32, #tpu.memory_space<hbm>> -> memref<64x128xf32, #tpu.memory_space<hbm>>
      %dma_wait3A_1361 = arith.constant 0 : i32
      %dma_wait3A_1362 = tpu.memref_slice %arg4[%dma_wait3A_1357, %mul3A_2, %dma_wait3A_1361] : memref<50x4096x128xf32, #tpu.memory_space<hbm>> -> memref<1x64x128xf32, #tpu.memory_space<hbm>>
      %dma_wait3A_1363 = tpu.memref_squeeze %dma_wait3A_1362 : memref<1x64x128xf32, #tpu.memory_space<hbm>> -> memref<64x128xf32, #tpu.memory_space<hbm>>
      tpu.wait_dma2 semaphore(%arg34 : memref<!tpu.dma_semaphore, #tpu.memory_space<semaphore_mem>>) src(%arg14 : memref<64x128xf32, #tpu.memory_space<vmem>>) dst(%dma_wait3A_1363 : memref<64x128xf32, #tpu.memory_space<hbm>>)
      %add3A_1364 = arith.constant 1 : i32
      %add3A_1365 = arith.addi %scan3A_296, %add3A_1364 : i32
      %mul3A_1366 = arith.constant 10 : i32
      %mul3A_1367 = arith.muli %add3A_1365, %mul3A_1366 : i32
      %add3A_1368 = arith.constant 8 : i32
      %add3A_1369 = arith.addi %mul3A_1367, %add3A_1368 : i32
      %jit3A_1370 = arith.constant 2 : i32
      %div3A_1371 = arith.divsi %add3A_1369, %jit3A_1370 : i32
      %sign3A_1372 = arith.constant 0 : i32
      %sign3A_1373 = arith.cmpi sgt, %add3A_1369, %sign3A_1372 : i32
      %sign3A_1374 = arith.extui %sign3A_1373 : i1 to i32
      %sign3A_1375 = arith.constant 0 : i32
      %sign3A_1376 = arith.cmpi slt, %add3A_1369, %sign3A_1375 : i32
      %sign3A_1377 = arith.extui %sign3A_1376 : i1 to i32
      %sign3A_1378 = arith.subi %sign3A_1374, %sign3A_1377 : i32
      %sign3A_1379 = arith.constant 0 : i32
      %sign3A_1380 = arith.cmpi sgt, %jit3A_1370, %sign3A_1379 : i32
      %sign3A_1381 = arith.extui %sign3A_1380 : i1 to i32
      %sign3A_1382 = arith.constant 0 : i32
      %sign3A_1383 = arith.cmpi slt, %jit3A_1370, %sign3A_1382 : i32
      %sign3A_1384 = arith.extui %sign3A_1383 : i1 to i32
      %sign3A_1385 = arith.subi %sign3A_1381, %sign3A_1384 : i32
      %ne3A_1386 = arith.cmpi ne, %sign3A_1378, %sign3A_1385 : i32
      %rem3A_1387 = arith.remsi %add3A_1369, %jit3A_1370 : i32
      %ne3A_1388 = arith.constant 0 : i32
      %ne3A_1389 = arith.cmpi ne, %rem3A_1387, %ne3A_1388 : i32
      %and3A_1390 = arith.andi %ne3A_1386, %ne3A_1389 : i1
      %sub3A_1391 = arith.constant 1 : i32
      %sub3A_1392 = arith.subi %div3A_1371, %sub3A_1391 : i32
      %select_n3A_1393 = arith.select %and3A_1390, %sub3A_1392, %div3A_1371 : i32
      %jit3A_1394 = arith.constant 2 : i32
      %eq3A_1395 = arith.constant 0 : i32
      %eq3A_1396 = arith.cmpi eq, %jit3A_1394, %eq3A_1395 : i32
      %jit3A_1397 = arith.constant 1 : i32
      %select_n3A_1398 = arith.select %eq3A_1396, %jit3A_1397, %jit3A_1394 : i32
      %rem3A_1399 = arith.remsi %add3A_1369, %select_n3A_1398 : i32
      %ne3A_1400 = arith.constant 0 : i32
      %ne3A_1401 = arith.cmpi ne, %rem3A_1399, %ne3A_1400 : i32
      %lt3A_1402 = arith.constant 0 : i32
      %lt3A_1403 = arith.cmpi slt, %rem3A_1399, %lt3A_1402 : i32
      %lt3A_1404 = arith.constant 0 : i32
      %lt3A_1405 = arith.cmpi slt, %select_n3A_1398, %lt3A_1404 : i32
      %ne3A_1406 = arith.xori %lt3A_1403, %lt3A_1405 : i1
      %and3A_1407 = arith.andi %ne3A_1406, %ne3A_1401 : i1
      %add3A_1408 = arith.addi %rem3A_1399, %select_n3A_1398 : i32
      %select_n3A_1409 = arith.select %and3A_1407, %add3A_1408, %rem3A_1399 : i32
      %mul3A_1410 = arith.constant 64 : i32
      %mul3A_1411 = arith.muli %select_n3A_1409, %mul3A_1410 : i32
      %dma_start3A_1412 = tpu.memref_slice %arg5[%select_n3A_1393, %mul3A_1411] : memref<50x128xi32, #tpu.memory_space<vmem>> -> memref<1x64xi32, #tpu.memory_space<vmem>>
      %dma_start3A_1413 = tpu.memref_squeeze %dma_start3A_1412 : memref<1x64xi32, #tpu.memory_space<vmem>> -> memref<64xi32, #tpu.memory_space<vmem>>
      %dma_start3A_1414 = arith.constant 0 : i32
      %dma_start3A_1415 = arith.constant 0 : i32
      %dma_start3A_1416 = tpu.memref_slice %arg2[%dma_start3A_1414, %dma_start3A_1415] : memref<100000x128xf32, #tpu.memory_space<hbm>> -> memref<100000x128xf32, #tpu.memory_space<hbm>>
      tpu.enqueue_indirect_dma source(%dma_start3A_1416 : memref<100000x128xf32, #tpu.memory_space<hbm>>) target(%arg14 : memref<64x128xf32, #tpu.memory_space<vmem>>) offsets(%dma_start3A_1413 : memref<64xi32, #tpu.memory_space<vmem>>) semaphore(%arg24 : memref<!tpu.dma_semaphore, #tpu.memory_space<semaphore_mem>>)
      %dma_wait3A_1417 = arith.constant 0 : i32
      %dma_wait3A_1418 = arith.constant 0 : i32
      %dma_wait3A_1419 = tpu.memref_slice %arg4[%dma_wait3A_1417, %mul3A_2, %dma_wait3A_1418] : memref<50x4096x128xf32, #tpu.memory_space<hbm>> -> memref<1x64x128xf32, #tpu.memory_space<hbm>>
      %dma_wait3A_1420 = tpu.memref_squeeze %dma_wait3A_1419 : memref<1x64x128xf32, #tpu.memory_space<hbm>> -> memref<64x128xf32, #tpu.memory_space<hbm>>
      %dma_wait3A_1421 = arith.constant 0 : i32
      %dma_wait3A_1422 = tpu.memref_slice %arg4[%dma_wait3A_1417, %mul3A_2, %dma_wait3A_1421] : memref<50x4096x128xf32, #tpu.memory_space<hbm>> -> memref<1x64x128xf32, #tpu.memory_space<hbm>>
      %dma_wait3A_1423 = tpu.memref_squeeze %dma_wait3A_1422 : memref<1x64x128xf32, #tpu.memory_space<hbm>> -> memref<64x128xf32, #tpu.memory_space<hbm>>
      tpu.wait_dma2 semaphore(%arg35 : memref<!tpu.dma_semaphore, #tpu.memory_space<semaphore_mem>>) src(%arg15 : memref<64x128xf32, #tpu.memory_space<vmem>>) dst(%dma_wait3A_1423 : memref<64x128xf32, #tpu.memory_space<hbm>>)
      %add3A_1424 = arith.constant 1 : i32
      %add3A_1425 = arith.addi %scan3A_296, %add3A_1424 : i32
      %mul3A_1426 = arith.constant 10 : i32
      %mul3A_1427 = arith.muli %add3A_1425, %mul3A_1426 : i32
      %add3A_1428 = arith.constant 9 : i32
      %add3A_1429 = arith.addi %mul3A_1427, %add3A_1428 : i32
      %jit3A_1430 = arith.constant 2 : i32
      %div3A_1431 = arith.divsi %add3A_1429, %jit3A_1430 : i32
      %sign3A_1432 = arith.constant 0 : i32
      %sign3A_1433 = arith.cmpi sgt, %add3A_1429, %sign3A_1432 : i32
      %sign3A_1434 = arith.extui %sign3A_1433 : i1 to i32
      %sign3A_1435 = arith.constant 0 : i32
      %sign3A_1436 = arith.cmpi slt, %add3A_1429, %sign3A_1435 : i32
      %sign3A_1437 = arith.extui %sign3A_1436 : i1 to i32
      %sign3A_1438 = arith.subi %sign3A_1434, %sign3A_1437 : i32
      %sign3A_1439 = arith.constant 0 : i32
      %sign3A_1440 = arith.cmpi sgt, %jit3A_1430, %sign3A_1439 : i32
      %sign3A_1441 = arith.extui %sign3A_1440 : i1 to i32
      %sign3A_1442 = arith.constant 0 : i32
      %sign3A_1443 = arith.cmpi slt, %jit3A_1430, %sign3A_1442 : i32
      %sign3A_1444 = arith.extui %sign3A_1443 : i1 to i32
      %sign3A_1445 = arith.subi %sign3A_1441, %sign3A_1444 : i32
      %ne3A_1446 = arith.cmpi ne, %sign3A_1438, %sign3A_1445 : i32
      %rem3A_1447 = arith.remsi %add3A_1429, %jit3A_1430 : i32
      %ne3A_1448 = arith.constant 0 : i32
      %ne3A_1449 = arith.cmpi ne, %rem3A_1447, %ne3A_1448 : i32
      %and3A_1450 = arith.andi %ne3A_1446, %ne3A_1449 : i1
      %sub3A_1451 = arith.constant 1 : i32
      %sub3A_1452 = arith.subi %div3A_1431, %sub3A_1451 : i32
      %select_n3A_1453 = arith.select %and3A_1450, %sub3A_1452, %div3A_1431 : i32
      %jit3A_1454 = arith.constant 2 : i32
      %eq3A_1455 = arith.constant 0 : i32
      %eq3A_1456 = arith.cmpi eq, %jit3A_1454, %eq3A_1455 : i32
      %jit3A_1457 = arith.constant 1 : i32
      %select_n3A_1458 = arith.select %eq3A_1456, %jit3A_1457, %jit3A_1454 : i32
      %rem3A_1459 = arith.remsi %add3A_1429, %select_n3A_1458 : i32
      %ne3A_1460 = arith.constant 0 : i32
      %ne3A_1461 = arith.cmpi ne, %rem3A_1459, %ne3A_1460 : i32
      %lt3A_1462 = arith.constant 0 : i32
      %lt3A_1463 = arith.cmpi slt, %rem3A_1459, %lt3A_1462 : i32
      %lt3A_1464 = arith.constant 0 : i32
      %lt3A_1465 = arith.cmpi slt, %select_n3A_1458, %lt3A_1464 : i32
      %ne3A_1466 = arith.xori %lt3A_1463, %lt3A_1465 : i1
      %and3A_1467 = arith.andi %ne3A_1466, %ne3A_1461 : i1
      %add3A_1468 = arith.addi %rem3A_1459, %select_n3A_1458 : i32
      %select_n3A_1469 = arith.select %and3A_1467, %add3A_1468, %rem3A_1459 : i32
      %mul3A_1470 = arith.constant 64 : i32
      %mul3A_1471 = arith.muli %select_n3A_1469, %mul3A_1470 : i32
      %dma_start3A_1472 = tpu.memref_slice %arg5[%select_n3A_1453, %mul3A_1471] : memref<50x128xi32, #tpu.memory_space<vmem>> -> memref<1x64xi32, #tpu.memory_space<vmem>>
      %dma_start3A_1473 = tpu.memref_squeeze %dma_start3A_1472 : memref<1x64xi32, #tpu.memory_space<vmem>> -> memref<64xi32, #tpu.memory_space<vmem>>
      %dma_start3A_1474 = arith.constant 0 : i32
      %dma_start3A_1475 = arith.constant 0 : i32
      %dma_start3A_1476 = tpu.memref_slice %arg2[%dma_start3A_1474, %dma_start3A_1475] : memref<100000x128xf32, #tpu.memory_space<hbm>> -> memref<100000x128xf32, #tpu.memory_space<hbm>>
      tpu.enqueue_indirect_dma source(%dma_start3A_1476 : memref<100000x128xf32, #tpu.memory_space<hbm>>) target(%arg15 : memref<64x128xf32, #tpu.memory_space<vmem>>) offsets(%dma_start3A_1473 : memref<64xi32, #tpu.memory_space<vmem>>) semaphore(%arg25 : memref<!tpu.dma_semaphore, #tpu.memory_space<semaphore_mem>>)
    }
    %scan3A_76 = arith.constant 9 : i32
    %dma_wait3A = arith.constant 0 : i32
    %dma_wait3A_77 = arith.constant 0 : i32
    %dma_wait3A_78 = tpu.memref_slice %arg2[%dma_wait3A, %dma_wait3A_77] : memref<100000x128xf32, #tpu.memory_space<hbm>> -> memref<64x128xf32, #tpu.memory_space<hbm>>
    %dma_wait3A_79 = arith.constant 0 : i32
    %dma_wait3A_80 = arith.constant 0 : i32
    %dma_wait3A_81 = tpu.memref_slice %arg2[%dma_wait3A_79, %dma_wait3A_80] : memref<100000x128xf32, #tpu.memory_space<hbm>> -> memref<64x128xf32, #tpu.memory_space<hbm>>
    tpu.wait_dma2 semaphore(%arg16 : memref<!tpu.dma_semaphore, #tpu.memory_space<semaphore_mem>>) src(%dma_wait3A_81 : memref<64x128xf32, #tpu.memory_space<hbm>>) dst(%arg6 : memref<64x128xf32, #tpu.memory_space<vmem>>)
    %add3A_82 = arith.constant 0 : i32
    %add3A_83 = arith.addi %mul3A_2, %add3A_82 : i32
    %dma_start3A_84 = arith.constant 45 : i32
    %dma_start3A_85 = arith.constant 0 : i32
    %dma_start3A_86 = tpu.memref_slice %arg4[%dma_start3A_84, %add3A_83, %dma_start3A_85] : memref<50x4096x128xf32, #tpu.memory_space<hbm>> -> memref<1x64x128xf32, #tpu.memory_space<hbm>>
    %dma_start3A_87 = tpu.memref_squeeze %dma_start3A_86 : memref<1x64x128xf32, #tpu.memory_space<hbm>> -> memref<64x128xf32, #tpu.memory_space<hbm>>
    %dma_start3A_88 = arith.constant 0 : i32
    %dma_start3A_89 = tpu.memref_slice %arg4[%dma_start3A_84, %add3A_83, %dma_start3A_88] : memref<50x4096x128xf32, #tpu.memory_space<hbm>> -> memref<1x64x128xf32, #tpu.memory_space<hbm>>
    %dma_start3A_90 = tpu.memref_squeeze %dma_start3A_89 : memref<1x64x128xf32, #tpu.memory_space<hbm>> -> memref<64x128xf32, #tpu.memory_space<hbm>>
    tpu.enqueue_dma source(%arg6 : memref<64x128xf32, #tpu.memory_space<vmem>>) target(%dma_start3A_90 : memref<64x128xf32, #tpu.memory_space<hbm>>) target_semaphore(%arg26 : memref<!tpu.dma_semaphore, #tpu.memory_space<semaphore_mem>>)
    %dma_wait3A_91 = arith.constant 0 : i32
    %dma_wait3A_92 = arith.constant 0 : i32
    %dma_wait3A_93 = tpu.memref_slice %arg2[%dma_wait3A_91, %dma_wait3A_92] : memref<100000x128xf32, #tpu.memory_space<hbm>> -> memref<64x128xf32, #tpu.memory_space<hbm>>
    %dma_wait3A_94 = arith.constant 0 : i32
    %dma_wait3A_95 = arith.constant 0 : i32
    %dma_wait3A_96 = tpu.memref_slice %arg2[%dma_wait3A_94, %dma_wait3A_95] : memref<100000x128xf32, #tpu.memory_space<hbm>> -> memref<64x128xf32, #tpu.memory_space<hbm>>
    tpu.wait_dma2 semaphore(%arg17 : memref<!tpu.dma_semaphore, #tpu.memory_space<semaphore_mem>>) src(%dma_wait3A_96 : memref<64x128xf32, #tpu.memory_space<hbm>>) dst(%arg7 : memref<64x128xf32, #tpu.memory_space<vmem>>)
    %add3A_97 = arith.constant 64 : i32
    %add3A_98 = arith.addi %mul3A_2, %add3A_97 : i32
    %dma_start3A_99 = arith.constant 45 : i32
    %dma_start3A_100 = arith.constant 0 : i32
    %dma_start3A_101 = tpu.memref_slice %arg4[%dma_start3A_99, %add3A_98, %dma_start3A_100] : memref<50x4096x128xf32, #tpu.memory_space<hbm>> -> memref<1x64x128xf32, #tpu.memory_space<hbm>>
    %dma_start3A_102 = tpu.memref_squeeze %dma_start3A_101 : memref<1x64x128xf32, #tpu.memory_space<hbm>> -> memref<64x128xf32, #tpu.memory_space<hbm>>
    %dma_start3A_103 = arith.constant 0 : i32
    %dma_start3A_104 = tpu.memref_slice %arg4[%dma_start3A_99, %add3A_98, %dma_start3A_103] : memref<50x4096x128xf32, #tpu.memory_space<hbm>> -> memref<1x64x128xf32, #tpu.memory_space<hbm>>
    %dma_start3A_105 = tpu.memref_squeeze %dma_start3A_104 : memref<1x64x128xf32, #tpu.memory_space<hbm>> -> memref<64x128xf32, #tpu.memory_space<hbm>>
    tpu.enqueue_dma source(%arg7 : memref<64x128xf32, #tpu.memory_space<vmem>>) target(%dma_start3A_105 : memref<64x128xf32, #tpu.memory_space<hbm>>) target_semaphore(%arg27 : memref<!tpu.dma_semaphore, #tpu.memory_space<semaphore_mem>>)
    %dma_wait3A_106 = arith.constant 0 : i32
    %dma_wait3A_107 = arith.constant 0 : i32
    %dma_wait3A_108 = tpu.memref_slice %arg2[%dma_wait3A_106, %dma_wait3A_107] : memref<100000x128xf32, #tpu.memory_space<hbm>> -> memref<64x128xf32, #tpu.memory_space<hbm>>
    %dma_wait3A_109 = arith.constant 0 : i32
    %dma_wait3A_110 = arith.constant 0 : i32
    %dma_wait3A_111 = tpu.memref_slice %arg2[%dma_wait3A_109, %dma_wait3A_110] : memref<100000x128xf32, #tpu.memory_space<hbm>> -> memref<64x128xf32, #tpu.memory_space<hbm>>
    tpu.wait_dma2 semaphore(%arg18 : memref<!tpu.dma_semaphore, #tpu.memory_space<semaphore_mem>>) src(%dma_wait3A_111 : memref<64x128xf32, #tpu.memory_space<hbm>>) dst(%arg8 : memref<64x128xf32, #tpu.memory_space<vmem>>)
    %add3A_112 = arith.constant 0 : i32
    %add3A_113 = arith.addi %mul3A_2, %add3A_112 : i32
    %dma_start3A_114 = arith.constant 46 : i32
    %dma_start3A_115 = arith.constant 0 : i32
    %dma_start3A_116 = tpu.memref_slice %arg4[%dma_start3A_114, %add3A_113, %dma_start3A_115] : memref<50x4096x128xf32, #tpu.memory_space<hbm>> -> memref<1x64x128xf32, #tpu.memory_space<hbm>>
    %dma_start3A_117 = tpu.memref_squeeze %dma_start3A_116 : memref<1x64x128xf32, #tpu.memory_space<hbm>> -> memref<64x128xf32, #tpu.memory_space<hbm>>
    %dma_start3A_118 = arith.constant 0 : i32
    %dma_start3A_119 = tpu.memref_slice %arg4[%dma_start3A_114, %add3A_113, %dma_start3A_118] : memref<50x4096x128xf32, #tpu.memory_space<hbm>> -> memref<1x64x128xf32, #tpu.memory_space<hbm>>
    %dma_start3A_120 = tpu.memref_squeeze %dma_start3A_119 : memref<1x64x128xf32, #tpu.memory_space<hbm>> -> memref<64x128xf32, #tpu.memory_space<hbm>>
    tpu.enqueue_dma source(%arg8 : memref<64x128xf32, #tpu.memory_space<vmem>>) target(%dma_start3A_120 : memref<64x128xf32, #tpu.memory_space<hbm>>) target_semaphore(%arg28 : memref<!tpu.dma_semaphore, #tpu.memory_space<semaphore_mem>>)
    %dma_wait3A_121 = arith.constant 0 : i32
    %dma_wait3A_122 = arith.constant 0 : i32
    %dma_wait3A_123 = tpu.memref_slice %arg2[%dma_wait3A_121, %dma_wait3A_122] : memref<100000x128xf32, #tpu.memory_space<hbm>> -> memref<64x128xf32, #tpu.memory_space<hbm>>
    %dma_wait3A_124 = arith.constant 0 : i32
    %dma_wait3A_125 = arith.constant 0 : i32
    %dma_wait3A_126 = tpu.memref_slice %arg2[%dma_wait3A_124, %dma_wait3A_125] : memref<100000x128xf32, #tpu.memory_space<hbm>> -> memref<64x128xf32, #tpu.memory_space<hbm>>
    tpu.wait_dma2 semaphore(%arg19 : memref<!tpu.dma_semaphore, #tpu.memory_space<semaphore_mem>>) src(%dma_wait3A_126 : memref<64x128xf32, #tpu.memory_space<hbm>>) dst(%arg9 : memref<64x128xf32, #tpu.memory_space<vmem>>)
    %add3A_127 = arith.constant 64 : i32
    %add3A_128 = arith.addi %mul3A_2, %add3A_127 : i32
    %dma_start3A_129 = arith.constant 46 : i32
    %dma_start3A_130 = arith.constant 0 : i32
    %dma_start3A_131 = tpu.memref_slice %arg4[%dma_start3A_129, %add3A_128, %dma_start3A_130] : memref<50x4096x128xf32, #tpu.memory_space<hbm>> -> memref<1x64x128xf32, #tpu.memory_space<hbm>>
    %dma_start3A_132 = tpu.memref_squeeze %dma_start3A_131 : memref<1x64x128xf32, #tpu.memory_space<hbm>> -> memref<64x128xf32, #tpu.memory_space<hbm>>
    %dma_start3A_133 = arith.constant 0 : i32
    %dma_start3A_134 = tpu.memref_slice %arg4[%dma_start3A_129, %add3A_128, %dma_start3A_133] : memref<50x4096x128xf32, #tpu.memory_space<hbm>> -> memref<1x64x128xf32, #tpu.memory_space<hbm>>
    %dma_start3A_135 = tpu.memref_squeeze %dma_start3A_134 : memref<1x64x128xf32, #tpu.memory_space<hbm>> -> memref<64x128xf32, #tpu.memory_space<hbm>>
    tpu.enqueue_dma source(%arg9 : memref<64x128xf32, #tpu.memory_space<vmem>>) target(%dma_start3A_135 : memref<64x128xf32, #tpu.memory_space<hbm>>) target_semaphore(%arg29 : memref<!tpu.dma_semaphore, #tpu.memory_space<semaphore_mem>>)
    %dma_wait3A_136 = arith.constant 0 : i32
    %dma_wait3A_137 = arith.constant 0 : i32
    %dma_wait3A_138 = tpu.memref_slice %arg2[%dma_wait3A_136, %dma_wait3A_137] : memref<100000x128xf32, #tpu.memory_space<hbm>> -> memref<64x128xf32, #tpu.memory_space<hbm>>
    %dma_wait3A_139 = arith.constant 0 : i32
    %dma_wait3A_140 = arith.constant 0 : i32
    %dma_wait3A_141 = tpu.memref_slice %arg2[%dma_wait3A_139, %dma_wait3A_140] : memref<100000x128xf32, #tpu.memory_space<hbm>> -> memref<64x128xf32, #tpu.memory_space<hbm>>
    tpu.wait_dma2 semaphore(%arg20 : memref<!tpu.dma_semaphore, #tpu.memory_space<semaphore_mem>>) src(%dma_wait3A_141 : memref<64x128xf32, #tpu.memory_space<hbm>>) dst(%arg10 : memref<64x128xf32, #tpu.memory_space<vmem>>)
    %add3A_142 = arith.constant 0 : i32
    %add3A_143 = arith.addi %mul3A_2, %add3A_142 : i32
    %dma_start3A_144 = arith.constant 47 : i32
    %dma_start3A_145 = arith.constant 0 : i32
    %dma_start3A_146 = tpu.memref_slice %arg4[%dma_start3A_144, %add3A_143, %dma_start3A_145] : memref<50x4096x128xf32, #tpu.memory_space<hbm>> -> memref<1x64x128xf32, #tpu.memory_space<hbm>>
    %dma_start3A_147 = tpu.memref_squeeze %dma_start3A_146 : memref<1x64x128xf32, #tpu.memory_space<hbm>> -> memref<64x128xf32, #tpu.memory_space<hbm>>
    %dma_start3A_148 = arith.constant 0 : i32
    %dma_start3A_149 = tpu.memref_slice %arg4[%dma_start3A_144, %add3A_143, %dma_start3A_148] : memref<50x4096x128xf32, #tpu.memory_space<hbm>> -> memref<1x64x128xf32, #tpu.memory_space<hbm>>
    %dma_start3A_150 = tpu.memref_squeeze %dma_start3A_149 : memref<1x64x128xf32, #tpu.memory_space<hbm>> -> memref<64x128xf32, #tpu.memory_space<hbm>>
    tpu.enqueue_dma source(%arg10 : memref<64x128xf32, #tpu.memory_space<vmem>>) target(%dma_start3A_150 : memref<64x128xf32, #tpu.memory_space<hbm>>) target_semaphore(%arg30 : memref<!tpu.dma_semaphore, #tpu.memory_space<semaphore_mem>>)
    %dma_wait3A_151 = arith.constant 0 : i32
    %dma_wait3A_152 = arith.constant 0 : i32
    %dma_wait3A_153 = tpu.memref_slice %arg2[%dma_wait3A_151, %dma_wait3A_152] : memref<100000x128xf32, #tpu.memory_space<hbm>> -> memref<64x128xf32, #tpu.memory_space<hbm>>
    %dma_wait3A_154 = arith.constant 0 : i32
    %dma_wait3A_155 = arith.constant 0 : i32
    %dma_wait3A_156 = tpu.memref_slice %arg2[%dma_wait3A_154, %dma_wait3A_155] : memref<100000x128xf32, #tpu.memory_space<hbm>> -> memref<64x128xf32, #tpu.memory_space<hbm>>
    tpu.wait_dma2 semaphore(%arg21 : memref<!tpu.dma_semaphore, #tpu.memory_space<semaphore_mem>>) src(%dma_wait3A_156 : memref<64x128xf32, #tpu.memory_space<hbm>>) dst(%arg11 : memref<64x128xf32, #tpu.memory_space<vmem>>)
    %add3A_157 = arith.constant 64 : i32
    %add3A_158 = arith.addi %mul3A_2, %add3A_157 : i32
    %dma_start3A_159 = arith.constant 47 : i32
    %dma_start3A_160 = arith.constant 0 : i32
    %dma_start3A_161 = tpu.memref_slice %arg4[%dma_start3A_159, %add3A_158, %dma_start3A_160] : memref<50x4096x128xf32, #tpu.memory_space<hbm>> -> memref<1x64x128xf32, #tpu.memory_space<hbm>>
    %dma_start3A_162 = tpu.memref_squeeze %dma_start3A_161 : memref<1x64x128xf32, #tpu.memory_space<hbm>> -> memref<64x128xf32, #tpu.memory_space<hbm>>
    %dma_start3A_163 = arith.constant 0 : i32
    %dma_start3A_164 = tpu.memref_slice %arg4[%dma_start3A_159, %add3A_158, %dma_start3A_163] : memref<50x4096x128xf32, #tpu.memory_space<hbm>> -> memref<1x64x128xf32, #tpu.memory_space<hbm>>
    %dma_start3A_165 = tpu.memref_squeeze %dma_start3A_164 : memref<1x64x128xf32, #tpu.memory_space<hbm>> -> memref<64x128xf32, #tpu.memory_space<hbm>>
    tpu.enqueue_dma source(%arg11 : memref<64x128xf32, #tpu.memory_space<vmem>>) target(%dma_start3A_165 : memref<64x128xf32, #tpu.memory_space<hbm>>) target_semaphore(%arg31 : memref<!tpu.dma_semaphore, #tpu.memory_space<semaphore_mem>>)
    %dma_wait3A_166 = arith.constant 0 : i32
    %dma_wait3A_167 = arith.constant 0 : i32
    %dma_wait3A_168 = tpu.memref_slice %arg2[%dma_wait3A_166, %dma_wait3A_167] : memref<100000x128xf32, #tpu.memory_space<hbm>> -> memref<64x128xf32, #tpu.memory_space<hbm>>
    %dma_wait3A_169 = arith.constant 0 : i32
    %dma_wait3A_170 = arith.constant 0 : i32
    %dma_wait3A_171 = tpu.memref_slice %arg2[%dma_wait3A_169, %dma_wait3A_170] : memref<100000x128xf32, #tpu.memory_space<hbm>> -> memref<64x128xf32, #tpu.memory_space<hbm>>
    tpu.wait_dma2 semaphore(%arg22 : memref<!tpu.dma_semaphore, #tpu.memory_space<semaphore_mem>>) src(%dma_wait3A_171 : memref<64x128xf32, #tpu.memory_space<hbm>>) dst(%arg12 : memref<64x128xf32, #tpu.memory_space<vmem>>)
    %add3A_172 = arith.constant 0 : i32
    %add3A_173 = arith.addi %mul3A_2, %add3A_172 : i32
    %dma_start3A_174 = arith.constant 48 : i32
    %dma_start3A_175 = arith.constant 0 : i32
    %dma_start3A_176 = tpu.memref_slice %arg4[%dma_start3A_174, %add3A_173, %dma_start3A_175] : memref<50x4096x128xf32, #tpu.memory_space<hbm>> -> memref<1x64x128xf32, #tpu.memory_space<hbm>>
    %dma_start3A_177 = tpu.memref_squeeze %dma_start3A_176 : memref<1x64x128xf32, #tpu.memory_space<hbm>> -> memref<64x128xf32, #tpu.memory_space<hbm>>
    %dma_start3A_178 = arith.constant 0 : i32
    %dma_start3A_179 = tpu.memref_slice %arg4[%dma_start3A_174, %add3A_173, %dma_start3A_178] : memref<50x4096x128xf32, #tpu.memory_space<hbm>> -> memref<1x64x128xf32, #tpu.memory_space<hbm>>
    %dma_start3A_180 = tpu.memref_squeeze %dma_start3A_179 : memref<1x64x128xf32, #tpu.memory_space<hbm>> -> memref<64x128xf32, #tpu.memory_space<hbm>>
    tpu.enqueue_dma source(%arg12 : memref<64x128xf32, #tpu.memory_space<vmem>>) target(%dma_start3A_180 : memref<64x128xf32, #tpu.memory_space<hbm>>) target_semaphore(%arg32 : memref<!tpu.dma_semaphore, #tpu.memory_space<semaphore_mem>>)
    %dma_wait3A_181 = arith.constant 0 : i32
    %dma_wait3A_182 = arith.constant 0 : i32
    %dma_wait3A_183 = tpu.memref_slice %arg2[%dma_wait3A_181, %dma_wait3A_182] : memref<100000x128xf32, #tpu.memory_space<hbm>> -> memref<64x128xf32, #tpu.memory_space<hbm>>
    %dma_wait3A_184 = arith.constant 0 : i32
    %dma_wait3A_185 = arith.constant 0 : i32
    %dma_wait3A_186 = tpu.memref_slice %arg2[%dma_wait3A_184, %dma_wait3A_185] : memref<100000x128xf32, #tpu.memory_space<hbm>> -> memref<64x128xf32, #tpu.memory_space<hbm>>
    tpu.wait_dma2 semaphore(%arg23 : memref<!tpu.dma_semaphore, #tpu.memory_space<semaphore_mem>>) src(%dma_wait3A_186 : memref<64x128xf32, #tpu.memory_space<hbm>>) dst(%arg13 : memref<64x128xf32, #tpu.memory_space<vmem>>)
    %add3A_187 = arith.constant 64 : i32
    %add3A_188 = arith.addi %mul3A_2, %add3A_187 : i32
    %dma_start3A_189 = arith.constant 48 : i32
    %dma_start3A_190 = arith.constant 0 : i32
    %dma_start3A_191 = tpu.memref_slice %arg4[%dma_start3A_189, %add3A_188, %dma_start3A_190] : memref<50x4096x128xf32, #tpu.memory_space<hbm>> -> memref<1x64x128xf32, #tpu.memory_space<hbm>>
    %dma_start3A_192 = tpu.memref_squeeze %dma_start3A_191 : memref<1x64x128xf32, #tpu.memory_space<hbm>> -> memref<64x128xf32, #tpu.memory_space<hbm>>
    %dma_start3A_193 = arith.constant 0 : i32
    %dma_start3A_194 = tpu.memref_slice %arg4[%dma_start3A_189, %add3A_188, %dma_start3A_193] : memref<50x4096x128xf32, #tpu.memory_space<hbm>> -> memref<1x64x128xf32, #tpu.memory_space<hbm>>
    %dma_start3A_195 = tpu.memref_squeeze %dma_start3A_194 : memref<1x64x128xf32, #tpu.memory_space<hbm>> -> memref<64x128xf32, #tpu.memory_space<hbm>>
    tpu.enqueue_dma source(%arg13 : memref<64x128xf32, #tpu.memory_space<vmem>>) target(%dma_start3A_195 : memref<64x128xf32, #tpu.memory_space<hbm>>) target_semaphore(%arg33 : memref<!tpu.dma_semaphore, #tpu.memory_space<semaphore_mem>>)
    %dma_wait3A_196 = arith.constant 0 : i32
    %dma_wait3A_197 = arith.constant 0 : i32
    %dma_wait3A_198 = tpu.memref_slice %arg2[%dma_wait3A_196, %dma_wait3A_197] : memref<100000x128xf32, #tpu.memory_space<hbm>> -> memref<64x128xf32, #tpu.memory_space<hbm>>
    %dma_wait3A_199 = arith.constant 0 : i32
    %dma_wait3A_200 = arith.constant 0 : i32
    %dma_wait3A_201 = tpu.memref_slice %arg2[%dma_wait3A_199, %dma_wait3A_200] : memref<100000x128xf32, #tpu.memory_space<hbm>> -> memref<64x128xf32, #tpu.memory_space<hbm>>
    tpu.wait_dma2 semaphore(%arg24 : memref<!tpu.dma_semaphore, #tpu.memory_space<semaphore_mem>>) src(%dma_wait3A_201 : memref<64x128xf32, #tpu.memory_space<hbm>>) dst(%arg14 : memref<64x128xf32, #tpu.memory_space<vmem>>)
    %add3A_202 = arith.constant 0 : i32
    %add3A_203 = arith.addi %mul3A_2, %add3A_202 : i32
    %dma_start3A_204 = arith.constant 49 : i32
    %dma_start3A_205 = arith.constant 0 : i32
    %dma_start3A_206 = tpu.memref_slice %arg4[%dma_start3A_204, %add3A_203, %dma_start3A_205] : memref<50x4096x128xf32, #tpu.memory_space<hbm>> -> memref<1x64x128xf32, #tpu.memory_space<hbm>>
    %dma_start3A_207 = tpu.memref_squeeze %dma_start3A_206 : memref<1x64x128xf32, #tpu.memory_space<hbm>> -> memref<64x128xf32, #tpu.memory_space<hbm>>
    %dma_start3A_208 = arith.constant 0 : i32
    %dma_start3A_209 = tpu.memref_slice %arg4[%dma_start3A_204, %add3A_203, %dma_start3A_208] : memref<50x4096x128xf32, #tpu.memory_space<hbm>> -> memref<1x64x128xf32, #tpu.memory_space<hbm>>
    %dma_start3A_210 = tpu.memref_squeeze %dma_start3A_209 : memref<1x64x128xf32, #tpu.memory_space<hbm>> -> memref<64x128xf32, #tpu.memory_space<hbm>>
    tpu.enqueue_dma source(%arg14 : memref<64x128xf32, #tpu.memory_space<vmem>>) target(%dma_start3A_210 : memref<64x128xf32, #tpu.memory_space<hbm>>) target_semaphore(%arg34 : memref<!tpu.dma_semaphore, #tpu.memory_space<semaphore_mem>>)
    %dma_wait3A_211 = arith.constant 0 : i32
    %dma_wait3A_212 = arith.constant 0 : i32
    %dma_wait3A_213 = tpu.memref_slice %arg2[%dma_wait3A_211, %dma_wait3A_212] : memref<100000x128xf32, #tpu.memory_space<hbm>> -> memref<64x128xf32, #tpu.memory_space<hbm>>
    %dma_wait3A_214 = arith.constant 0 : i32
    %dma_wait3A_215 = arith.constant 0 : i32
    %dma_wait3A_216 = tpu.memref_slice %arg2[%dma_wait3A_214, %dma_wait3A_215] : memref<100000x128xf32, #tpu.memory_space<hbm>> -> memref<64x128xf32, #tpu.memory_space<hbm>>
    tpu.wait_dma2 semaphore(%arg25 : memref<!tpu.dma_semaphore, #tpu.memory_space<semaphore_mem>>) src(%dma_wait3A_216 : memref<64x128xf32, #tpu.memory_space<hbm>>) dst(%arg15 : memref<64x128xf32, #tpu.memory_space<vmem>>)
    %add3A_217 = arith.constant 64 : i32
    %add3A_218 = arith.addi %mul3A_2, %add3A_217 : i32
    %dma_start3A_219 = arith.constant 49 : i32
    %dma_start3A_220 = arith.constant 0 : i32
    %dma_start3A_221 = tpu.memref_slice %arg4[%dma_start3A_219, %add3A_218, %dma_start3A_220] : memref<50x4096x128xf32, #tpu.memory_space<hbm>> -> memref<1x64x128xf32, #tpu.memory_space<hbm>>
    %dma_start3A_222 = tpu.memref_squeeze %dma_start3A_221 : memref<1x64x128xf32, #tpu.memory_space<hbm>> -> memref<64x128xf32, #tpu.memory_space<hbm>>
    %dma_start3A_223 = arith.constant 0 : i32
    %dma_start3A_224 = tpu.memref_slice %arg4[%dma_start3A_219, %add3A_218, %dma_start3A_223] : memref<50x4096x128xf32, #tpu.memory_space<hbm>> -> memref<1x64x128xf32, #tpu.memory_space<hbm>>
    %dma_start3A_225 = tpu.memref_squeeze %dma_start3A_224 : memref<1x64x128xf32, #tpu.memory_space<hbm>> -> memref<64x128xf32, #tpu.memory_space<hbm>>
    tpu.enqueue_dma source(%arg15 : memref<64x128xf32, #tpu.memory_space<vmem>>) target(%dma_start3A_225 : memref<64x128xf32, #tpu.memory_space<hbm>>) target_semaphore(%arg35 : memref<!tpu.dma_semaphore, #tpu.memory_space<semaphore_mem>>)
    %dma_wait3A_226 = arith.constant 0 : i32
    %dma_wait3A_227 = arith.constant 0 : i32
    %dma_wait3A_228 = tpu.memref_slice %arg4[%dma_wait3A_226, %mul3A_2, %dma_wait3A_227] : memref<50x4096x128xf32, #tpu.memory_space<hbm>> -> memref<1x64x128xf32, #tpu.memory_space<hbm>>
    %dma_wait3A_229 = tpu.memref_squeeze %dma_wait3A_228 : memref<1x64x128xf32, #tpu.memory_space<hbm>> -> memref<64x128xf32, #tpu.memory_space<hbm>>
    %dma_wait3A_230 = arith.constant 0 : i32
    %dma_wait3A_231 = tpu.memref_slice %arg4[%dma_wait3A_226, %mul3A_2, %dma_wait3A_230] : memref<50x4096x128xf32, #tpu.memory_space<hbm>> -> memref<1x64x128xf32, #tpu.memory_space<hbm>>
    %dma_wait3A_232 = tpu.memref_squeeze %dma_wait3A_231 : memref<1x64x128xf32, #tpu.memory_space<hbm>> -> memref<64x128xf32, #tpu.memory_space<hbm>>
    tpu.wait_dma2 semaphore(%arg26 : memref<!tpu.dma_semaphore, #tpu.memory_space<semaphore_mem>>) src(%arg6 : memref<64x128xf32, #tpu.memory_space<vmem>>) dst(%dma_wait3A_232 : memref<64x128xf32, #tpu.memory_space<hbm>>)
    %dma_wait3A_233 = arith.constant 0 : i32
    %dma_wait3A_234 = arith.constant 0 : i32
    %dma_wait3A_235 = tpu.memref_slice %arg4[%dma_wait3A_233, %mul3A_2, %dma_wait3A_234] : memref<50x4096x128xf32, #tpu.memory_space<hbm>> -> memref<1x64x128xf32, #tpu.memory_space<hbm>>
    %dma_wait3A_236 = tpu.memref_squeeze %dma_wait3A_235 : memref<1x64x128xf32, #tpu.memory_space<hbm>> -> memref<64x128xf32, #tpu.memory_space<hbm>>
    %dma_wait3A_237 = arith.constant 0 : i32
    %dma_wait3A_238 = tpu.memref_slice %arg4[%dma_wait3A_233, %mul3A_2, %dma_wait3A_237] : memref<50x4096x128xf32, #tpu.memory_space<hbm>> -> memref<1x64x128xf32, #tpu.memory_space<hbm>>
    %dma_wait3A_239 = tpu.memref_squeeze %dma_wait3A_238 : memref<1x64x128xf32, #tpu.memory_space<hbm>> -> memref<64x128xf32, #tpu.memory_space<hbm>>
    tpu.wait_dma2 semaphore(%arg27 : memref<!tpu.dma_semaphore, #tpu.memory_space<semaphore_mem>>) src(%arg7 : memref<64x128xf32, #tpu.memory_space<vmem>>) dst(%dma_wait3A_239 : memref<64x128xf32, #tpu.memory_space<hbm>>)
    %dma_wait3A_240 = arith.constant 0 : i32
    %dma_wait3A_241 = arith.constant 0 : i32
    %dma_wait3A_242 = tpu.memref_slice %arg4[%dma_wait3A_240, %mul3A_2, %dma_wait3A_241] : memref<50x4096x128xf32, #tpu.memory_space<hbm>> -> memref<1x64x128xf32, #tpu.memory_space<hbm>>
    %dma_wait3A_243 = tpu.memref_squeeze %dma_wait3A_242 : memref<1x64x128xf32, #tpu.memory_space<hbm>> -> memref<64x128xf32, #tpu.memory_space<hbm>>
    %dma_wait3A_244 = arith.constant 0 : i32
    %dma_wait3A_245 = tpu.memref_slice %arg4[%dma_wait3A_240, %mul3A_2, %dma_wait3A_244] : memref<50x4096x128xf32, #tpu.memory_space<hbm>> -> memref<1x64x128xf32, #tpu.memory_space<hbm>>
    %dma_wait3A_246 = tpu.memref_squeeze %dma_wait3A_245 : memref<1x64x128xf32, #tpu.memory_space<hbm>> -> memref<64x128xf32, #tpu.memory_space<hbm>>
    tpu.wait_dma2 semaphore(%arg28 : memref<!tpu.dma_semaphore, #tpu.memory_space<semaphore_mem>>) src(%arg8 : memref<64x128xf32, #tpu.memory_space<vmem>>) dst(%dma_wait3A_246 : memref<64x128xf32, #tpu.memory_space<hbm>>)
    %dma_wait3A_247 = arith.constant 0 : i32
    %dma_wait3A_248 = arith.constant 0 : i32
    %dma_wait3A_249 = tpu.memref_slice %arg4[%dma_wait3A_247, %mul3A_2, %dma_wait3A_248] : memref<50x4096x128xf32, #tpu.memory_space<hbm>> -> memref<1x64x128xf32, #tpu.memory_space<hbm>>
    %dma_wait3A_250 = tpu.memref_squeeze %dma_wait3A_249 : memref<1x64x128xf32, #tpu.memory_space<hbm>> -> memref<64x128xf32, #tpu.memory_space<hbm>>
    %dma_wait3A_251 = arith.constant 0 : i32
    %dma_wait3A_252 = tpu.memref_slice %arg4[%dma_wait3A_247, %mul3A_2, %dma_wait3A_251] : memref<50x4096x128xf32, #tpu.memory_space<hbm>> -> memref<1x64x128xf32, #tpu.memory_space<hbm>>
    %dma_wait3A_253 = tpu.memref_squeeze %dma_wait3A_252 : memref<1x64x128xf32, #tpu.memory_space<hbm>> -> memref<64x128xf32, #tpu.memory_space<hbm>>
    tpu.wait_dma2 semaphore(%arg29 : memref<!tpu.dma_semaphore, #tpu.memory_space<semaphore_mem>>) src(%arg9 : memref<64x128xf32, #tpu.memory_space<vmem>>) dst(%dma_wait3A_253 : memref<64x128xf32, #tpu.memory_space<hbm>>)
    %dma_wait3A_254 = arith.constant 0 : i32
    %dma_wait3A_255 = arith.constant 0 : i32
    %dma_wait3A_256 = tpu.memref_slice %arg4[%dma_wait3A_254, %mul3A_2, %dma_wait3A_255] : memref<50x4096x128xf32, #tpu.memory_space<hbm>> -> memref<1x64x128xf32, #tpu.memory_space<hbm>>
    %dma_wait3A_257 = tpu.memref_squeeze %dma_wait3A_256 : memref<1x64x128xf32, #tpu.memory_space<hbm>> -> memref<64x128xf32, #tpu.memory_space<hbm>>
    %dma_wait3A_258 = arith.constant 0 : i32
    %dma_wait3A_259 = tpu.memref_slice %arg4[%dma_wait3A_254, %mul3A_2, %dma_wait3A_258] : memref<50x4096x128xf32, #tpu.memory_space<hbm>> -> memref<1x64x128xf32, #tpu.memory_space<hbm>>
    %dma_wait3A_260 = tpu.memref_squeeze %dma_wait3A_259 : memref<1x64x128xf32, #tpu.memory_space<hbm>> -> memref<64x128xf32, #tpu.memory_space<hbm>>
    tpu.wait_dma2 semaphore(%arg30 : memref<!tpu.dma_semaphore, #tpu.memory_space<semaphore_mem>>) src(%arg10 : memref<64x128xf32, #tpu.memory_space<vmem>>) dst(%dma_wait3A_260 : memref<64x128xf32, #tpu.memory_space<hbm>>)
    %dma_wait3A_261 = arith.constant 0 : i32
    %dma_wait3A_262 = arith.constant 0 : i32
    %dma_wait3A_263 = tpu.memref_slice %arg4[%dma_wait3A_261, %mul3A_2, %dma_wait3A_262] : memref<50x4096x128xf32, #tpu.memory_space<hbm>> -> memref<1x64x128xf32, #tpu.memory_space<hbm>>
    %dma_wait3A_264 = tpu.memref_squeeze %dma_wait3A_263 : memref<1x64x128xf32, #tpu.memory_space<hbm>> -> memref<64x128xf32, #tpu.memory_space<hbm>>
    %dma_wait3A_265 = arith.constant 0 : i32
    %dma_wait3A_266 = tpu.memref_slice %arg4[%dma_wait3A_261, %mul3A_2, %dma_wait3A_265] : memref<50x4096x128xf32, #tpu.memory_space<hbm>> -> memref<1x64x128xf32, #tpu.memory_space<hbm>>
    %dma_wait3A_267 = tpu.memref_squeeze %dma_wait3A_266 : memref<1x64x128xf32, #tpu.memory_space<hbm>> -> memref<64x128xf32, #tpu.memory_space<hbm>>
    tpu.wait_dma2 semaphore(%arg31 : memref<!tpu.dma_semaphore, #tpu.memory_space<semaphore_mem>>) src(%arg11 : memref<64x128xf32, #tpu.memory_space<vmem>>) dst(%dma_wait3A_267 : memref<64x128xf32, #tpu.memory_space<hbm>>)
    %dma_wait3A_268 = arith.constant 0 : i32
    %dma_wait3A_269 = arith.constant 0 : i32
    %dma_wait3A_270 = tpu.memref_slice %arg4[%dma_wait3A_268, %mul3A_2, %dma_wait3A_269] : memref<50x4096x128xf32, #tpu.memory_space<hbm>> -> memref<1x64x128xf32, #tpu.memory_space<hbm>>
    %dma_wait3A_271 = tpu.memref_squeeze %dma_wait3A_270 : memref<1x64x128xf32, #tpu.memory_space<hbm>> -> memref<64x128xf32, #tpu.memory_space<hbm>>
    %dma_wait3A_272 = arith.constant 0 : i32
    %dma_wait3A_273 = tpu.memref_slice %arg4[%dma_wait3A_268, %mul3A_2, %dma_wait3A_272] : memref<50x4096x128xf32, #tpu.memory_space<hbm>> -> memref<1x64x128xf32, #tpu.memory_space<hbm>>
    %dma_wait3A_274 = tpu.memref_squeeze %dma_wait3A_273 : memref<1x64x128xf32, #tpu.memory_space<hbm>> -> memref<64x128xf32, #tpu.memory_space<hbm>>
    tpu.wait_dma2 semaphore(%arg32 : memref<!tpu.dma_semaphore, #tpu.memory_space<semaphore_mem>>) src(%arg12 : memref<64x128xf32, #tpu.memory_space<vmem>>) dst(%dma_wait3A_274 : memref<64x128xf32, #tpu.memory_space<hbm>>)
    %dma_wait3A_275 = arith.constant 0 : i32
    %dma_wait3A_276 = arith.constant 0 : i32
    %dma_wait3A_277 = tpu.memref_slice %arg4[%dma_wait3A_275, %mul3A_2, %dma_wait3A_276] : memref<50x4096x128xf32, #tpu.memory_space<hbm>> -> memref<1x64x128xf32, #tpu.memory_space<hbm>>
    %dma_wait3A_278 = tpu.memref_squeeze %dma_wait3A_277 : memref<1x64x128xf32, #tpu.memory_space<hbm>> -> memref<64x128xf32, #tpu.memory_space<hbm>>
    %dma_wait3A_279 = arith.constant 0 : i32
    %dma_wait3A_280 = tpu.memref_slice %arg4[%dma_wait3A_275, %mul3A_2, %dma_wait3A_279] : memref<50x4096x128xf32, #tpu.memory_space<hbm>> -> memref<1x64x128xf32, #tpu.memory_space<hbm>>
    %dma_wait3A_281 = tpu.memref_squeeze %dma_wait3A_280 : memref<1x64x128xf32, #tpu.memory_space<hbm>> -> memref<64x128xf32, #tpu.memory_space<hbm>>
    tpu.wait_dma2 semaphore(%arg33 : memref<!tpu.dma_semaphore, #tpu.memory_space<semaphore_mem>>) src(%arg13 : memref<64x128xf32, #tpu.memory_space<vmem>>) dst(%dma_wait3A_281 : memref<64x128xf32, #tpu.memory_space<hbm>>)
    %dma_wait3A_282 = arith.constant 0 : i32
    %dma_wait3A_283 = arith.constant 0 : i32
    %dma_wait3A_284 = tpu.memref_slice %arg4[%dma_wait3A_282, %mul3A_2, %dma_wait3A_283] : memref<50x4096x128xf32, #tpu.memory_space<hbm>> -> memref<1x64x128xf32, #tpu.memory_space<hbm>>
    %dma_wait3A_285 = tpu.memref_squeeze %dma_wait3A_284 : memref<1x64x128xf32, #tpu.memory_space<hbm>> -> memref<64x128xf32, #tpu.memory_space<hbm>>
    %dma_wait3A_286 = arith.constant 0 : i32
    %dma_wait3A_287 = tpu.memref_slice %arg4[%dma_wait3A_282, %mul3A_2, %dma_wait3A_286] : memref<50x4096x128xf32, #tpu.memory_space<hbm>> -> memref<1x64x128xf32, #tpu.memory_space<hbm>>
    %dma_wait3A_288 = tpu.memref_squeeze %dma_wait3A_287 : memref<1x64x128xf32, #tpu.memory_space<hbm>> -> memref<64x128xf32, #tpu.memory_space<hbm>>
    tpu.wait_dma2 semaphore(%arg34 : memref<!tpu.dma_semaphore, #tpu.memory_space<semaphore_mem>>) src(%arg14 : memref<64x128xf32, #tpu.memory_space<vmem>>) dst(%dma_wait3A_288 : memref<64x128xf32, #tpu.memory_space<hbm>>)
    %dma_wait3A_289 = arith.constant 0 : i32
    %dma_wait3A_290 = arith.constant 0 : i32
    %dma_wait3A_291 = tpu.memref_slice %arg4[%dma_wait3A_289, %mul3A_2, %dma_wait3A_290] : memref<50x4096x128xf32, #tpu.memory_space<hbm>> -> memref<1x64x128xf32, #tpu.memory_space<hbm>>
    %dma_wait3A_292 = tpu.memref_squeeze %dma_wait3A_291 : memref<1x64x128xf32, #tpu.memory_space<hbm>> -> memref<64x128xf32, #tpu.memory_space<hbm>>
    %dma_wait3A_293 = arith.constant 0 : i32
    %dma_wait3A_294 = tpu.memref_slice %arg4[%dma_wait3A_289, %mul3A_2, %dma_wait3A_293] : memref<50x4096x128xf32, #tpu.memory_space<hbm>> -> memref<1x64x128xf32, #tpu.memory_space<hbm>>
    %dma_wait3A_295 = tpu.memref_squeeze %dma_wait3A_294 : memref<1x64x128xf32, #tpu.memory_space<hbm>> -> memref<64x128xf32, #tpu.memory_space<hbm>>
    tpu.wait_dma2 semaphore(%arg35 : memref<!tpu.dma_semaphore, #tpu.memory_space<semaphore_mem>>) src(%arg15 : memref<64x128xf32, #tpu.memory_space<vmem>>) dst(%dma_wait3A_295 : memref<64x128xf32, #tpu.memory_space<hbm>>)
    return
  }
}

</mosaic_0001>

<sc_bundles>
// kernel: _embedding_lookup.3.cloned.1.call-start
scs
__scs_entry_jumppad:
0x0: {  	(pc) =	sbr.rel $0x88, $3  }
0x1: {  	(tag) =	ssettag $0x0;
	lr =	simm.s32 $0x1  }
0x2: {  	[smem:$0x3F9F] =	sst lr;
	_ =	strace $0xD0000000  }
0x3: {  	_ = 	snop  }
0x4: {  	_ = 	snop  }
0x5: {  	_ = 	snop  }
0x6: {  	_ = 	snop  }
0x7: {  	_ = 	snop  }
__scs_overlays_trampoline_lowered:
0x8: {  	[smem:$0x3FAE] =	sst s0  }
0x9: {  	[smem:$0x3FAF] =	sst s1  }
0xa: {  	[smem:$0x3FB0] =	sst s2  }
0xb: {  	[smem:$0x3FB1] =	sst s3  }
0xc: {  	[smem:$0x3FB2] =	sst s4  }
0xd: {  	[smem:$0x3FB3] =	sst s5  }
0xe: {  	[smem:$0x3FB4] =	sst s6  }
0xf: {  	[smem:$0x3FB5] =	sst s7  }
0x10: {  	[smem:$0x3FB6] =	sst s8  }
0x11: {  	[smem:$0x3FB7] =	sst s9;
	s0 =	simm.s32 @!p0 $0x0  }
0x12: {  	s1 =	sld [smem:$0x3F9D];
	s0 =	simm.s32 @p0 $0x1  }
0x13: {  	[smem:$0x3FB8] =	sst s0;
	s0 =	simm.s32 @!p1 $0x0  }
0x14: {  	s2 =	sld [smem:$0x3F9C];
	s0 =	simm.s32 @p1 $0x1  }
0x15: {  	[smem:$0x3FB9] =	sst s0;
	s0 =	simm.s32 @!p2 $0x0  }
0x16: {  	s3 =	sld [smem:$0x3FDB];
	s0 =	simm.s32 @p2 $0x1  }
0x17: {  	s4 =	simm.s32 $0x1BF5;
	[smem:$0x3FBB] =	sst s0  }
0x18: {  	s0 =	sld [smem:$0x3F9E];
	_ =	swait.ge [sflag:s4], $0x0  }
0x19: {  	s7 =	sld [smem:$0x3F9F]  }
0x1a: {  	s8 =	sadd.s32 $0xFFFFE003, lr  }
0x1b: {  	s9 =	sadd.s32 $0xFFFFFEF7, lr;
	s5 =	simm.s32 $0xFFFFFFFF;
	p2 =	slt.u32 s8, $0xFFFFF086  }
0x1c: {  	p1 =	slt.u32 s9, $0xF7A;
	s5 =	simm.s32 @!p2 $0x0  }
0x1d: {  	s5 =	simm.s32 @p1 $0x1;
	p0 =	seq.s32 s7, s2  }
0x1e: {  	s7 =	smul.u32 @!p0 $0xF7A, s2;
	p2 =	seq.s32 @!p0 s5, $0x0  }
0x1f: {  	s9 =	smul.u32 $0xF7A, s1;
	s8 =	simm.s32 @!p0 $0x1BF5;
	p2 =	por !p2, p0  }
0x20: {  	[sflag:s8] =	ssyncset.s32 @!p0 $0xFFFFF086;
	s6 =	sadd.s32 @!p0 s3, s7;
	s7 =	simm.s32 @!p0 $0x108  }
0x21: {  	s3 =	sadd.s32 s3, s9;
	s6 =	sadd.s32 @!p0 $0x88, s6;
	s7 =	simm.s32 @p2 $0x1082  }
0x22: {  	[simem:s7], [sflag:s8] =	dma.local @!p0 [hbm:s6], $0xF7A  }
0x23: {  	s9 =	sor.u32 $0xD0000000, s2;
	s6 =	simm.s32 $0x108;
	_ =	swait.ge @!p0 [sflag:s8], $0x0  }
0x24: {  	s3 =	sadd.s32 $0x88, s3;
	s6 =	simm.s32 @!p1 $0x1082;
	[sflag:s4] =	ssyncset.s32 $0xFFFFF086  }
0x25: {  	[simem:s6], [sflag:s4] =	dma.local [hbm:s3], $0xF7A  }
0x26: {  	[smem:$0x3F9F] =	sst s1;
	(tag) =	ssettag s2;
	_ =	strace s9  }
0x27: {  	s1 =	sld [smem:$0x3FAF]  }
0x28: {  	s2 =	sld [smem:$0x3FB0]  }
0x29: {  	s4 =	sld [smem:$0x3FB2]  }
0x2a: {  	p0 =	seq.s32 s5, $0x0;
	s5 =	sld [smem:$0x3FB3]  }
0x2b: {  	s6 =	sld [smem:$0x3FB4]  }
0x2c: {  	s7 =	sld [smem:$0x3FB5]  }
0x2d: {  	s3 =	simm.s32 $0x108;
	s8 =	sld [smem:$0x3FB6]  }
0x2e: {  	s3 =	simm.s32 @!p0 $0x1082;
	s9 =	sld [smem:$0x3FB7]  }
0x2f: {  	lr =	sadd.s32 s0, s3;
	s0 =	sld [smem:$0x3FAE]  }
0x30: {  	s3 =	sld [smem:$0x3FB1]  }
0x31: {  	[smem:$0x3FBA] =	sst s10  }
0x32: {  	s10 =	sld [smem:$0x3FB8];
	_ =	sdelay $0x3  }
0x33: {  	p0 =	seq.s32 s10, $0x1;
	s10 =	sld [smem:$0x3FBA];
	_ =	sdelay $0x3  }
0x34: {  	[smem:$0x3FBA] =	sst s10  }
0x35: {  	s10 =	sld [smem:$0x3FB9];
	_ =	sdelay $0x3  }
0x36: {  	p1 =	seq.s32 s10, $0x1;
	s10 =	sld [smem:$0x3FBA];
	_ =	sdelay $0x3  }
0x37: {  	[smem:$0x3FBA] =	sst s10  }
0x38: {  	s10 =	sld [smem:$0x3FBB]  }
0x39: {  	_ = 	snop;
	(pc) =	sbr.ind lr, $3  }
0x3a: {  	_ = 	snop  }
0x3b: {  	_ = 	snop  }
0x3c: {  	p2 =	seq.s32 s10, $0x1;
	s10 =	sld [smem:$0x3FBA]  }
0x3d: {  	_ =	shalt  }
0x3e: {  	_ =	shalt  }
0x3f: {  	_ =	shalt  }
0x40: {  	_ =	shalt  }
0x41: {  	_ =	shalt  }
0x42: {  	_ =	shalt  }
0x43: {  	_ =	shalt  }
0x44: {  	_ =	shalt  }
0x45: {  	_ =	shalt  }
0x46: {  	_ =	shalt  }
0x47: {  	_ =	shalt  }
0x48: {  	_ =	shalt  }
0x49: {  	_ =	shalt  }
0x4a: {  	_ =	shalt  }
0x4b: {  	_ =	shalt  }
0x4c: {  	_ =	shalt  }
0x4d: {  	_ =	shalt  }
0x4e: {  	_ =	shalt  }
0x4f: {  	_ =	shalt  }
0x50: {  	_ =	shalt  }
0x51: {  	_ =	shalt  }
0x52: {  	_ =	shalt  }
0x53: {  	_ =	shalt  }
0x54: {  	_ =	shalt  }
0x55: {  	_ =	shalt  }
0x56: {  	_ =	shalt  }
0x57: {  	_ =	shalt  }
0x58: {  	_ =	shalt  }
0x59: {  	_ =	shalt  }
0x5a: {  	_ =	shalt  }
0x5b: {  	_ =	shalt  }
0x5c: {  	_ =	shalt  }
0x5d: {  	_ =	shalt  }
0x5e: {  	_ =	shalt  }
0x5f: {  	_ =	shalt  }
0x60: {  	_ =	shalt  }
0x61: {  	_ =	shalt  }
0x62: {  	_ =	shalt  }
0x63: {  	_ =	shalt  }
0x64: {  	_ =	shalt  }
0x65: {  	_ =	shalt  }
0x66: {  	_ =	shalt  }
0x67: {  	_ =	shalt  }
0x68: {  	_ =	shalt  }
0x69: {  	_ =	shalt  }
0x6a: {  	_ =	shalt  }
0x6b: {  	_ =	shalt  }
0x6c: {  	_ =	shalt  }
0x6d: {  	_ =	shalt  }
0x6e: {  	_ =	shalt  }
0x6f: {  	_ =	shalt  }
0x70: {  	_ =	shalt  }
0x71: {  	_ =	shalt  }
0x72: {  	_ =	shalt  }
0x73: {  	_ =	shalt  }
0x74: {  	_ =	shalt  }
0x75: {  	_ =	shalt  }
0x76: {  	_ =	shalt  }
0x77: {  	_ =	shalt  }
0x78: {  	_ =	shalt  }
0x79: {  	_ =	shalt  }
0x7a: {  	_ =	shalt  }
0x7b: {  	_ =	shalt  }
0x7c: {  	_ =	shalt  }
0x7d: {  	_ =	shalt  }
0x7e: {  	_ =	shalt  }
0x7f: {  	_ =	shalt  }
0x80: {  	_ =	shalt  }
0x81: {  	_ =	shalt  }
0x82: {  	_ =	shalt  }
0x83: {  	_ =	shalt  }
0x84: {  	_ =	shalt  }
0x85: {  	_ =	shalt  }
0x86: {  	_ =	shalt  }
0x87: {  	_ =	shalt  }
.Lfunc_end0:
.L_simem_size_0:
called_computation_lowered:
.L_overlay_start_0:
0x88: {  	s2 =	sld [smem:$0x3FD9]  }
0x89: {  	s3 =	sld [smem:$0x3FFE];
	_ =	sdelay $0x1  }
0x8a: {  	s1 =	srdreg.scid  }
0x8b: {  	s0 =	sand.u32 $0x1, s1  }
0x8c: {  	s18 =	sshll.u32 s0, $0xA;
	s2 =	sadd.s32 s3, s2  }
0x8d: {  	s2 =	sadd.s32 s2, s18  }
0x8e: {  	[smem:$0x3FC6] =	sst s2  }
0x8f: {  	_ = 	snop  }
0x90: {  	s2 =	sld [smem:$0x3FC9]  }
0x91: {  	s19 =	sld [smem:$0x3FC8]  }
0x92: {  	s4 =	sld [smem:$0x3FD0];
	(tm) =	ssettm $0x1  }
0x93: {  	s5 =	sld [smem:$0x3FFB];
	_ =	sdelay $0x3  }
0x94: {  	_ =	strace s5  }
0x95: {  	s5 =	sld [smem:$0x3FFC];
	_ =	sdelay $0x3  }
0x96: {  	_ =	strace s5  }
0x97: {  	s5 =	sld [smem:$0x3FFD];
	_ =	sdelay $0x3  }
0x98: {  	_ =	strace s5  }
0x99: {  	_ =	strace $0x8FFFFFFF  }
0x9a: {  	s20 =	sld [smem:$0x3FDB];
	_ =	sdelay $0x1  }
0x9b: {  	s6 =	simm.s32 $_scs_section_size  }
0x9c: {  	s7 =	simm.s32 $_size__tile_overlayer_lowered;
	s8 =	simm.s32 $_tile_overlayer_lowered  }
0x9d: {  	s23 =	simm.s32 $0x1BFF;
	s22 =	sshll.u32 s8, $0x1;
	s5 =	sadd.s32 s6, s20  }
0x9e: {  	s9 =	simm.s32 $0x0;
	s21 =	sshll.u32 s7, $0x1;
	s7 =	sadd.s32 s22, s5  }
0x9f: {  	[timem:s9], [sflag:s23] =	dma.local [hbm:s7], s21  }
0xa0: {  	_ =	swait.ge [sflag:s23], s21  }
0xa1: {  	s6 =	ssub.s32 $0x0, s21;
	[sflag:s23] =	ssyncset.done $0x0  }
0xa2: {  	[sflag:s23] =	ssyncadd.s32 s6;
	_ =	sdelay $0x1  }
0xa3: {  	s24 =	simm.s32 $0x1B8B  }
0xa4: {  	_ =	swait.ge [sflag:s24], $0x1  }
0xa5: {  	[sflag:s24] =	ssyncset.done $0x0  }
0xa6: {  	s25 =	simm.s32 $0x1B8E;
	[sflag:s24] =	ssyncadd.s32 $0xFFFFFFFF  }
0xa7: {  	s26 =	simm.s32 $execute0_lowered;
	[smem:$0x3FD2] =	sst s25  }
0xa8: {  	s6 =	sshll.u32 s26, $0x1;
	_ =	strace $0x80000046;
	[dreg:$0x1] =	wrdreg $0xFFFFFFFF  }
0xa9: {  	s28 =	simm.s32 $_size_execute0_lowered;
	s5 =	sadd.s32 s5, s6;
	[dreg:$0x0] =	wrdreg $0x0  }
0xaa: {  	s6 =	sshll.u32 s28, $0x1;
	[dreg:$0x2] =	wrdreg s5  }
0xab: {  	[dreg:$0x3] =	wrdreg s6  }
0xac: {  	[dreg:$0x4] =	wrdreg $0xC0  }
0xad: {  	_ =	task [dreg:s9], $0x5FFFF  }
0xae: {  	[dreg:$0x1] =	wrdreg $0xFFFFFFFF  }
0xaf: {  	[dreg:$0x0] =	wrdreg $0x60  }
0xb0: {  	[dreg:$0x2] =	wrdreg s19  }
0xb1: {  	[dreg:$0x3] =	wrdreg s2  }
0xb2: {  	[dreg:$0x4] =	wrdreg s4  }
0xb3: {  	[dreg:$0x5] =	wrdreg $0x9  }
0xb4: {  	_ =	task.clear_ibuf [dreg:s9], $0x6FFFF;
	_ =	strace $0x90000046  }
0xb5: {  	s29 =	simm.s32 $0x9;
	_ =	strace $0x80000048  }
0xb6: {  	_ =	swait.ge [sflag:s29], $0x1  }
0xb7: {  	[sflag:s29] =	ssyncadd.s32 $0xFFFFFFFF  }
0xb8: {  	_ =	strace $0x90000048  }
0xb9: {  	_ =	sfence  }
0xba: {  	s30 =	sld [smem:$0x0];
	_ =	sdelay $0x2  }
0xbb: {  	s31 =	sshll.u32 s1, $0xD;
	s1 =	sshrl.u32 s1, $0x2  }
0xbc: {  	s3 =	sand.u32 $0x4000, s31;
	s1 =	sadd.s32 s1, s30  }
0xbd: {  	s0 =	sor.u32 s3, s0;
	s1 =	sshll.u32 s1, $0x11  }
0xbe: {  	s0 =	sor.u32 s1, s0  }
0xbf: {  	s0 =	sadd.s32 $0x8F2B, s0  }
0xc0: {  	[sflag:s0] =	ssyncadd.remote.s32 $0x1  }
0xc1: {  	_ =	sfence.sel $0xFFFF  }
0xc2: {  	[dreg:$0x0] =	wrdreg $0xFFFFFFFF;
	(pc) =	sbr.abs _section_cstart, $3  }
0xc3: {  	[dreg:$0x1] =	wrdreg $0xFFFFFFFF  }
0xc4: {  	_ =	task.clear_ibuf [dreg:s9], $0x2FFFF;
	_ =	strace $0x9FFFFFFF  }
0xc5: {  	(tm) =	ssettm $0x7FFFFFFF  }
tec
execute0_lowered:
.L_overlay_start_1:
0x0: {  	(tag) =	ssettag $0x1  }
0x1: {  	s1 =	rddreg [dreg:$0x0]  }
0x2: {  	s0 =	rddreg [dreg:$0x1]  }
0x3: {  	s8 =	rddreg [dreg:$0x2];
	s2 =	srdreg.scid  }
0x4: {  	s4 =	simm.s32 $0x0;
	s7 =	stileid.u32;
	s2 =	sand.u32 $0x1, s2  }
0x5: {  	[smem:$0x7FF] =	sst s4;
	s3 =	sshll.u32 s7, $0x8;
	s7 =	sshll.u32 s7, $0xF  }
0x6: {  	s5 =	sshll.u32 s2, $0x7;
	_ =	strace $0x80000047;
	s6 =	ssub.s32 $0x2, s2  }
0x7: {  	s2 =	sshll.u32 s2, $0xE;
	s3 =	sor.u32 s5, s3;
	s25 =	sshrl.u32 s6, $0x1  }
0x8: {  	s2 =	sor.u32 s2, s7;
	s9 =	sadd.s32 s0, s3;
	s26 =	sshll.u32 s3, $0x4  }
0x9: {  	s12 =	sor.u32 $0x202000, s2;
	[dreg:$0xe] =	wrdreg s9;
	s28 =	sadd.s32 $0x6000, s9  }
0xa: {  	s14 =	sor.u32 $0x200000, s2;
	s5 =	sshrl.u32 s12, $0x3;
	[dreg:$0xf] =	wrdreg s28  }
0xb: {  	s16 =	sor.u32 $0x182000, s2;
	s15 =	sshrl.u32 s14, $0x3;
	[dreg:$0x4] =	wrdreg s5  }
0xc: {  	s18 =	sor.u32 $0x180000, s2;
	s17 =	sshrl.u32 s16, $0x3;
	[dreg:$0x5] =	wrdreg s15  }
0xd: {  	s20 =	sor.u32 $0x102000, s2;
	s19 =	sshrl.u32 s18, $0x3;
	[dreg:$0x6] =	wrdreg s17  }
0xe: {  	s22 =	sor.u32 $0x100000, s2;
	s21 =	sshrl.u32 s20, $0x3;
	[dreg:$0x7] =	wrdreg s19  }
0xf: {  	s24 =	sor.u32 $0x82000, s2;
	s23 =	sshrl.u32 s22, $0x3;
	[dreg:$0x8] =	wrdreg s21  }
0x10: {  	s3 =	ssub.s32 s6, s25;
	s25 =	sshrl.u32 s24, $0x3;
	[dreg:$0x9] =	wrdreg s23  }
0x11: {  	s0 =	sadd.s32 s26, s8;
	s3 =	smax.u32 s3, $0x1;
	[dreg:$0xa] =	wrdreg s25  }
0x12: {  	s26 =	sor.u32 $0x80000, s2;
	s29 =	sadd.s32 $0x2D0000, s0;
	[dreg:$0x1a] =	wrdreg s3  }
0x13: {  	s22 =	simm.s32 $0x40;
	s30 =	sadd.s32 $0x2D0400, s0;
	[dreg:$0x10] =	wrdreg s29  }
0x14: {  	s12 =	simm.s32 $0xA;
	s31 =	sadd.s32 $0x2E0000, s0;
	[dreg:$0x11] =	wrdreg s30  }
0x15: {  	s14 =	simm.s32 $0xC;
	s6 =	sadd.s32 $0x2E0400, s0;
	[dreg:$0x12] =	wrdreg s31  }
0x16: {  	s16 =	simm.s32 $0xF;
	s8 =	sadd.s32 $0x2F0000, s0;
	[dreg:$0x13] =	wrdreg s6  }
0x17: {  	s24 =	simm.s32 $0x14;
	s9 =	sadd.s32 $0x2F0400, s0;
	[dreg:$0x14] =	wrdreg s8  }
0x18: {  	s10 =	sadd.s32 $0x300000, s0;
	s11 =	sadd.s32 $0x300400, s0;
	[dreg:$0x15] =	wrdreg s9  }
0x19: {  	s13 =	sadd.s32 $0x310000, s0;
	s28 =	sshrl.u32 s26, $0x3;
	[dreg:$0x16] =	wrdreg s10  }
0x1a: {  	s0 =	sadd.s32 $0x310400, s0;
	s5 =	simm.s32 $0xD;
	[dreg:$0x17] =	wrdreg s11  }
0x1b: {  	s15 =	simm.s32 $0xE;
	s17 =	simm.s32 $0x10;
	[dreg:$0x18] =	wrdreg s13  }
0x1c: {  	s21 =	simm.s32 $0x11;
	s3 =	simm.s32 $0x12;
	[dreg:$0x19] =	wrdreg s0  }
0x1d: {  	s23 =	simm.s32 $0x13;
	s29 =	sor.u32 $0x2000, s2;
	[dreg:$0xb] =	wrdreg s28  }
0x1e: {  	s31 =	sshrl.u32 s2, $0x3;
	s9 =	simm.s32 $0x7;
	s10 =	simm.s32 $0x8  }
0x1f: {  	s11 =	simm.s32 $0x9;
	s30 =	sshrl.u32 s29, $0x3;
	[dreg:$0xd] =	wrdreg s31  }
0x20: {  	s13 =	simm.s32 $0xB;
	s0 =	simm.s32 $0x0;
	[dreg:$0xc] =	wrdreg s30  }
.LBB2_1:
0x21: {  	[dreg:$0x1b] =	wrdreg s0  }
0x22: {  	s2 =	rddreg [dreg:$0xe];
	s26 =	simm.s32 $0x400;
	s29 =	simm.s32 $0x8000  }
0x23: {  	[tilespmem:s4], [sflag:$0x15] =	stream.strided.gather [hbm4b:s2+s26], $0x1800, s29, s26, $0x38;
	[tilespmem:$0x15C00] =	vst v63  }
0x24: {  	s20 =	rddreg [dreg:$0xf];
	s25 =	simm.s32 $0x1800;
	s26 =	simm.s32 $0x15  }
0x25: {  	[tilespmem:s25], [sflag:$0x15] =	stream.linear.gather [hbm4b:s20+s4], $0x100, $0x38;
	[tilespmem:$0x15C00] =	vst v63  }
0x26: {  	_ =	swait.ge [sflag:s26], $0x1900  }
0x27: {  	[sflag:s26] =	ssyncset.done $0x0  }
0x28: {  	s19 =	simm.s32 $0x1C00;
	[sflag:s26] =	ssyncadd.s32 $0xFFFFE700  }
0x29: {  	[tilespmem:s19], [sflag:$0x1] =	stream.indirect.gather [hbm4b:s1+s22], $0x80, s4, s22, $0xb8;
	[tilespmem:$0x15C00] =	vst v63  }
0x2a: {  	s25 =	simm.s32 $0x3C00  }
0x2b: {  	[tilespmem:s25], [sflag:$0x2] =	stream.indirect.gather [hbm4b:s1+s22], $0x80, s22, s22, $0xb8;
	[tilespmem:$0x15C00] =	vst v63  }
0x2c: {  	s28 =	simm.s32 $0x80;
	s18 =	simm.s32 $0x5C00  }
0x2d: {  	[tilespmem:s18], [sflag:$0x3] =	stream.indirect.gather [hbm4b:s1+s22], $0x80, s28, s22, $0xb8;
	[tilespmem:$0x15C00] =	vst v63  }
0x2e: {  	s30 =	simm.s32 $0xC0;
	s20 =	simm.s32 $0x7C00  }
0x2f: {  	[tilespmem:s20], [sflag:$0x4] =	stream.indirect.gather [hbm4b:s1+s22], $0x80, s30, s22, $0xb8;
	[tilespmem:$0x15C00] =	vst v63  }
0x30: {  	s0 =	simm.s32 $0x100;
	s28 =	simm.s32 $0x9C00  }
0x31: {  	[tilespmem:s28], [sflag:$0x5] =	stream.indirect.gather [hbm4b:s1+s22], $0x80, s0, s22, $0xb8;
	[tilespmem:$0x15C00] =	vst v63  }
0x32: {  	s6 =	simm.s32 $0x140;
	s0 =	simm.s32 $0xBC00  }
0x33: {  	[tilespmem:s0], [sflag:$0x6] =	stream.indirect.gather [hbm4b:s1+s22], $0x80, s6, s22, $0xb8;
	[tilespmem:$0x15C00] =	vst v63  }
0x34: {  	s7 =	simm.s32 $0x180;
	s6 =	simm.s32 $0xDC00  }
0x35: {  	[tilespmem:s6], [sflag:$0x7] =	stream.indirect.gather [hbm4b:s1+s22], $0x80, s7, s22, $0xb8;
	[tilespmem:$0x15C00] =	vst v63  }
0x36: {  	s8 =	simm.s32 $0x1C0;
	s29 =	simm.s32 $0xFC00  }
0x37: {  	[tilespmem:s29], [sflag:$0x8] =	stream.indirect.gather [hbm4b:s1+s22], $0x80, s8, s22, $0xb8;
	[tilespmem:$0x15C00] =	vst v63  }
0x38: {  	s26 =	simm.s32 $0x200;
	s7 =	simm.s32 $0x11C00  }
0x39: {  	[tilespmem:s7], [sflag:$0x9] =	stream.indirect.gather [hbm4b:s1+s22], $0x80, s26, s22, $0xb8;
	[tilespmem:$0x15C00] =	vst v63  }
0x3a: {  	s30 =	simm.s32 $0x240;
	s8 =	simm.s32 $0x13C00;
	s26 =	simm.s32 $0x1  }
0x3b: {  	[tilespmem:s8], [sflag:$0xA] =	stream.indirect.gather [hbm4b:s1+s22], $0x80, s30, s22, $0xb8;
	[tilespmem:$0x15C00] =	vst v63  }
0x3c: {  	_ =	swait.ge [sflag:s26], $0x2000  }
0x3d: {  	[sflag:s26] =	ssyncset.done $0x0  }
0x3e: {  	s30 =	rddreg [dreg:$0xd];
	[sflag:s26] =	ssyncadd.s32 $0xFFFFE000  }
0x3f: {  	s2 =	rddreg [dreg:$0x2]  }
0x40: {  	s26 =	sadd.s32 s2, s30;
	s30 =	simm.s32 $0x2  }
0x41: {  	[hbm4b:s26+s4] =	stream.linear.scatter [tilespmem:s19], [sflag:$0xB], $0x2000, $0x38;
	[tilespmem:$0x15C00] =	vst v63  }
0x42: {  	_ =	swait.ge [sflag:s30], $0x2000  }
0x43: {  	s26 =	rddreg [dreg:$0xc];
	[sflag:s30] =	ssyncset.done $0x0  }
0x44: {  	[sflag:s30] =	ssyncadd.s32 $0xFFFFE000;
	s26 =	sadd.s32 s2, s26;
	s30 =	simm.s32 $0x3  }
0x45: {  	[hbm4b:s26+s4] =	stream.linear.scatter [tilespmem:s25], [sflag:$0xC], $0x2000, $0x38;
	[tilespmem:$0x15C00] =	vst v63  }
0x46: {  	_ =	swait.ge [sflag:s30], $0x2000  }
0x47: {  	s26 =	rddreg [dreg:$0xb];
	[sflag:s30] =	ssyncset.done $0x0  }
0x48: {  	[sflag:s30] =	ssyncadd.s32 $0xFFFFE000;
	s26 =	sadd.s32 s2, s26;
	s30 =	simm.s32 $0x4  }
0x49: {  	[hbm4b:s26+s4] =	stream.linear.scatter [tilespmem:s18], [sflag:$0xD], $0x2000, $0x38;
	[tilespmem:$0x15C00] =	vst v63  }
0x4a: {  	_ =	swait.ge [sflag:s30], $0x2000  }
0x4b: {  	s26 =	rddreg [dreg:$0xa];
	[sflag:s30] =	ssyncset.done $0x0  }
0x4c: {  	[sflag:s30] =	ssyncadd.s32 $0xFFFFE000;
	s26 =	sadd.s32 s2, s26;
	s30 =	simm.s32 $0x5  }
0x4d: {  	[hbm4b:s26+s4] =	stream.linear.scatter [tilespmem:s20], [sflag:$0xE], $0x2000, $0x38;
	[tilespmem:$0x15C00] =	vst v63  }
0x4e: {  	_ =	swait.ge [sflag:s30], $0x2000  }
0x4f: {  	s26 =	rddreg [dreg:$0x9];
	[sflag:s30] =	ssyncset.done $0x0  }
0x50: {  	[sflag:s30] =	ssyncadd.s32 $0xFFFFE000;
	s26 =	sadd.s32 s2, s26;
	s30 =	simm.s32 $0x6  }
0x51: {  	[hbm4b:s26+s4] =	stream.linear.scatter [tilespmem:s28], [sflag:$0xF], $0x2000, $0x38;
	[tilespmem:$0x15C00] =	vst v63  }
0x52: {  	_ =	swait.ge [sflag:s30], $0x2000  }
0x53: {  	s26 =	rddreg [dreg:$0x8];
	[sflag:s30] =	ssyncset.done $0x0  }
0x54: {  	[sflag:s30] =	ssyncadd.s32 $0xFFFFE000;
	s26 =	sadd.s32 s2, s26  }
0x55: {  	[hbm4b:s26+s4] =	stream.linear.scatter [tilespmem:s0], [sflag:$0x10], $0x2000, $0x38;
	[tilespmem:$0x15C00] =	vst v63  }
0x56: {  	_ =	swait.ge [sflag:s9], $0x2000  }
0x57: {  	s30 =	rddreg [dreg:$0x7];
	[sflag:s9] =	ssyncset.done $0x0  }
0x58: {  	[sflag:s9] =	ssyncadd.s32 $0xFFFFE000;
	s26 =	sadd.s32 s2, s30  }
0x59: {  	[hbm4b:s26+s4] =	stream.linear.scatter [tilespmem:s6], [sflag:$0x11], $0x2000, $0x38;
	[tilespmem:$0x15C00] =	vst v63  }
0x5a: {  	_ =	swait.ge [sflag:s10], $0x2000  }
0x5b: {  	s30 =	rddreg [dreg:$0x6];
	[sflag:s10] =	ssyncset.done $0x0  }
0x5c: {  	[sflag:s10] =	ssyncadd.s32 $0xFFFFE000;
	s26 =	sadd.s32 s2, s30  }
0x5d: {  	[hbm4b:s26+s4] =	stream.linear.scatter [tilespmem:s29], [sflag:$0x12], $0x2000, $0x38;
	[tilespmem:$0x15C00] =	vst v63  }
0x5e: {  	_ =	swait.ge [sflag:s11], $0x2000  }
0x5f: {  	s30 =	rddreg [dreg:$0x5];
	[sflag:s11] =	ssyncset.done $0x0  }
0x60: {  	[sflag:s11] =	ssyncadd.s32 $0xFFFFE000;
	s26 =	sadd.s32 s2, s30  }
0x61: {  	[hbm4b:s26+s4] =	stream.linear.scatter [tilespmem:s7], [sflag:$0x13], $0x2000, $0x38;
	[tilespmem:$0x15C00] =	vst v63  }
0x62: {  	_ =	swait.ge [sflag:s12], $0x2000  }
0x63: {  	s30 =	rddreg [dreg:$0x4];
	[sflag:s12] =	ssyncset.done $0x0  }
0x64: {  	[sflag:s12] =	ssyncadd.s32 $0xFFFFE000;
	s26 =	sadd.s32 s2, s30  }
0x65: {  	[hbm4b:s26+s4] =	stream.linear.scatter [tilespmem:s8], [sflag:$0x14], $0x2000, $0x38;
	[tilespmem:$0x15C00] =	vst v63  }
0x66: {  	_ =	swait.ge [sflag:s13], $0x2000  }
0x67: {  	[sflag:s13] =	ssyncset.done $0x0  }
0x68: {  	s8 =	simm.s32 $0x280;
	[sflag:s13] =	ssyncadd.s32 $0xFFFFE000  }
0x69: {  	[tilespmem:s19], [sflag:$0x1] =	stream.indirect.gather [hbm4b:s1+s22], $0x80, s8, s22, $0xb8;
	[tilespmem:$0x15C00] =	vst v63  }
0x6a: {  	_ =	swait.ge [sflag:s14], $0x2000  }
0x6b: {  	[sflag:s14] =	ssyncset.done $0x0  }
0x6c: {  	s30 =	simm.s32 $0x2C0;
	[sflag:s14] =	ssyncadd.s32 $0xFFFFE000  }
0x6d: {  	[tilespmem:s25], [sflag:$0x2] =	stream.indirect.gather [hbm4b:s1+s22], $0x80, s30, s22, $0xb8;
	[tilespmem:$0x15C00] =	vst v63  }
0x6e: {  	_ =	swait.ge [sflag:s5], $0x2000  }
0x6f: {  	[sflag:s5] =	ssyncset.done $0x0  }
0x70: {  	s8 =	simm.s32 $0x300;
	[sflag:s5] =	ssyncadd.s32 $0xFFFFE000  }
0x71: {  	[tilespmem:s18], [sflag:$0x3] =	stream.indirect.gather [hbm4b:s1+s22], $0x80, s8, s22, $0xb8;
	[tilespmem:$0x15C00] =	vst v63  }
0x72: {  	_ =	swait.ge [sflag:s15], $0x2000  }
0x73: {  	[sflag:s15] =	ssyncset.done $0x0  }
0x74: {  	s18 =	simm.s32 $0x340;
	[sflag:s15] =	ssyncadd.s32 $0xFFFFE000  }
0x75: {  	[tilespmem:s20], [sflag:$0x4] =	stream.indirect.gather [hbm4b:s1+s22], $0x80, s18, s22, $0xb8;
	[tilespmem:$0x15C00] =	vst v63  }
0x76: {  	_ =	swait.ge [sflag:s16], $0x2000  }
0x77: {  	[sflag:s16] =	ssyncset.done $0x0  }
0x78: {  	s19 =	simm.s32 $0x380;
	[sflag:s16] =	ssyncadd.s32 $0xFFFFE000  }
0x79: {  	[tilespmem:s28], [sflag:$0x5] =	stream.indirect.gather [hbm4b:s1+s22], $0x80, s19, s22, $0xb8;
	[tilespmem:$0x15C00] =	vst v63  }
0x7a: {  	_ =	swait.ge [sflag:s17], $0x2000  }
0x7b: {  	[sflag:s17] =	ssyncset.done $0x0  }
0x7c: {  	s20 =	simm.s32 $0x3C0;
	[sflag:s17] =	ssyncadd.s32 $0xFFFFE000  }
0x7d: {  	[tilespmem:s0], [sflag:$0x6] =	stream.indirect.gather [hbm4b:s1+s22], $0x80, s20, s22, $0xb8;
	[tilespmem:$0x15C00] =	vst v63  }
0x7e: {  	_ =	swait.ge [sflag:s21], $0x2000  }
0x7f: {  	[sflag:s21] =	ssyncset.done $0x0  }
0x80: {  	s25 =	simm.s32 $0x400;
	[sflag:s21] =	ssyncadd.s32 $0xFFFFE000  }
0x81: {  	[tilespmem:s6], [sflag:$0x7] =	stream.indirect.gather [hbm4b:s1+s22], $0x80, s25, s22, $0xb8;
	[tilespmem:$0x15C00] =	vst v63  }
0x82: {  	_ =	swait.ge [sflag:s3], $0x2000  }
0x83: {  	[sflag:s3] =	ssyncset.done $0x0  }
0x84: {  	s28 =	simm.s32 $0x440;
	[sflag:s3] =	ssyncadd.s32 $0xFFFFE000  }
0x85: {  	[tilespmem:s29], [sflag:$0x8] =	stream.indirect.gather [hbm4b:s1+s22], $0x80, s28, s22, $0xb8;
	[tilespmem:$0x15C00] =	vst v63  }
0x86: {  	_ =	swait.ge [sflag:s23], $0x2000  }
0x87: {  	[sflag:s23] =	ssyncset.done $0x0  }
0x88: {  	s30 =	simm.s32 $0x480;
	[sflag:s23] =	ssyncadd.s32 $0xFFFFE000  }
0x89: {  	[tilespmem:s7], [sflag:$0x9] =	stream.indirect.gather [hbm4b:s1+s22], $0x80, s30, s22, $0xb8;
	[tilespmem:$0x15C00] =	vst v63  }
0x8a: {  	_ =	swait.ge [sflag:s24], $0x2000  }
0x8b: {  	s31 =	simm.s32 $0x4C0;
	[sflag:s24] =	ssyncset.done $0x0  }
0x8c: {  	s26 =	simm.s32 $0xA00;
	s29 =	sadd.s32 $0x50000, s2;
	[sflag:s24] =	ssyncadd.s32 $0xFFFFE000  }
.LBB2_2:
0x8d: {  	s25 =	simm.s32 $0x13C00;
	s0 =	simm.s32 $0x1  }
0x8e: {  	[tilespmem:s25], [sflag:$0xA] =	stream.indirect.gather [hbm4b:s1+s22], $0x80, s31, s22, $0xb8;
	[tilespmem:$0x15C00] =	vst v63  }
0x8f: {  	_ =	swait.ge [sflag:s0], $0x2000  }
0x90: {  	s19 =	simm.s32 $0x1C00;
	s2 =	rddreg [dreg:$0xd];
	[sflag:s0] =	ssyncset.done $0x0  }
0x91: {  	s18 =	simm.s32 $0x2;
	[sflag:s0] =	ssyncadd.s32 $0xFFFFE000;
	s2 =	sadd.s32 s29, s2  }
0x92: {  	[hbm4b:s2+s4] =	stream.linear.scatter [tilespmem:s19], [sflag:$0xB], $0x2000, $0x38;
	[tilespmem:$0x15C00] =	vst v63  }
0x93: {  	_ =	swait.ge [sflag:s18], $0x2000  }
0x94: {  	s30 =	simm.s32 $0x3C00;
	s20 =	rddreg [dreg:$0xc];
	[sflag:s18] =	ssyncset.done $0x0  }
0x95: {  	s6 =	simm.s32 $0x3;
	[sflag:s18] =	ssyncadd.s32 $0xFFFFE000;
	s2 =	sadd.s32 s29, s20  }
0x96: {  	[hbm4b:s2+s4] =	stream.linear.scatter [tilespmem:s30], [sflag:$0xC], $0x2000, $0x38;
	[tilespmem:$0x15C00] =	vst v63  }
0x97: {  	_ =	swait.ge [sflag:s6], $0x2000  }
0x98: {  	s8 =	simm.s32 $0x4;
	s7 =	rddreg [dreg:$0xb];
	[sflag:s6] =	ssyncset.done $0x0  }
0x99: {  	s18 =	simm.s32 $0x5C00;
	[sflag:s6] =	ssyncadd.s32 $0xFFFFE000;
	s2 =	sadd.s32 s29, s7  }
0x9a: {  	[hbm4b:s2+s4] =	stream.linear.scatter [tilespmem:s18], [sflag:$0xD], $0x2000, $0x38;
	[tilespmem:$0x15C00] =	vst v63  }
0x9b: {  	_ =	swait.ge [sflag:s8], $0x2000  }
0x9c: {  	s20 =	rddreg [dreg:$0xa];
	[sflag:s8] =	ssyncset.done $0x0  }
0x9d: {  	[sflag:s8] =	ssyncadd.s32 $0xFFFFE000;
	s2 =	sadd.s32 s29, s20;
	s20 =	simm.s32 $0x7C00  }
0x9e: {  	[hbm4b:s2+s4] =	stream.linear.scatter [tilespmem:s20], [sflag:$0xE], $0x2000, $0x38;
	[tilespmem:$0x15C00] =	vst v63  }
0x9f: {  	s2 =	simm.s32 $0x5  }
0xa0: {  	_ =	swait.ge [sflag:s2], $0x2000  }
0xa1: {  	s28 =	simm.s32 $0x9C00;
	s6 =	rddreg [dreg:$0x9];
	[sflag:s2] =	ssyncset.done $0x0  }
0xa2: {  	s7 =	simm.s32 $0x6;
	[sflag:s2] =	ssyncadd.s32 $0xFFFFE000;
	s2 =	sadd.s32 s29, s6  }
0xa3: {  	[hbm4b:s2+s4] =	stream.linear.scatter [tilespmem:s28], [sflag:$0xF], $0x2000, $0x38;
	[tilespmem:$0x15C00] =	vst v63  }
0xa4: {  	_ =	swait.ge [sflag:s7], $0x2000  }
0xa5: {  	s8 =	rddreg [dreg:$0x8];
	[sflag:s7] =	ssyncset.done $0x0  }
0xa6: {  	s0 =	simm.s32 $0xBC00;
	[sflag:s7] =	ssyncadd.s32 $0xFFFFE000;
	s2 =	sadd.s32 s29, s8  }
0xa7: {  	[hbm4b:s2+s4] =	stream.linear.scatter [tilespmem:s0], [sflag:$0x10], $0x2000, $0x38;
	[tilespmem:$0x15C00] =	vst v63  }
0xa8: {  	_ =	swait.ge [sflag:s9], $0x2000  }
0xa9: {  	s6 =	rddreg [dreg:$0x7];
	[sflag:s9] =	ssyncset.done $0x0  }
0xaa: {  	[sflag:s9] =	ssyncadd.s32 $0xFFFFE000;
	s2 =	sadd.s32 s29, s6;
	s6 =	simm.s32 $0xDC00  }
0xab: {  	[hbm4b:s2+s4] =	stream.linear.scatter [tilespmem:s6], [sflag:$0x11], $0x2000, $0x38;
	[tilespmem:$0x15C00] =	vst v63  }
0xac: {  	_ =	swait.ge [sflag:s10], $0x2000  }
0xad: {  	s7 =	rddreg [dreg:$0x6];
	[sflag:s10] =	ssyncset.done $0x0  }
0xae: {  	[sflag:s10] =	ssyncadd.s32 $0xFFFFE000;
	s2 =	sadd.s32 s29, s7;
	s7 =	simm.s32 $0xFC00  }
0xaf: {  	[hbm4b:s2+s4] =	stream.linear.scatter [tilespmem:s7], [sflag:$0x12], $0x2000, $0x38;
	[tilespmem:$0x15C00] =	vst v63  }
0xb0: {  	_ =	swait.ge [sflag:s11], $0x2000  }
0xb1: {  	s8 =	rddreg [dreg:$0x5];
	[sflag:s11] =	ssyncset.done $0x0  }
0xb2: {  	[sflag:s11] =	ssyncadd.s32 $0xFFFFE000;
	s2 =	sadd.s32 s29, s8;
	s8 =	simm.s32 $0x11C00  }
0xb3: {  	[hbm4b:s2+s4] =	stream.linear.scatter [tilespmem:s8], [sflag:$0x13], $0x2000, $0x38;
	[tilespmem:$0x15C00] =	vst v63  }
0xb4: {  	_ =	swait.ge [sflag:s12], $0x2000  }
0xb5: {  	s2 =	rddreg [dreg:$0x4];
	[sflag:s12] =	ssyncset.done $0x0  }
0xb6: {  	[sflag:s12] =	ssyncadd.s32 $0xFFFFE000;
	s2 =	sadd.s32 s29, s2  }
0xb7: {  	[hbm4b:s2+s4] =	stream.linear.scatter [tilespmem:s25], [sflag:$0x14], $0x2000, $0x38;
	[tilespmem:$0x15C00] =	vst v63  }
0xb8: {  	s31 =	smov.u32 s26;
	_ =	swait.ge [sflag:s13], $0x2000  }
0xb9: {  	s31 =	sshra.s32 s31, $0x2;
	[sflag:s13] =	ssyncset.done $0x0  }
0xba: {  	s2 =	sadd.s32 $0x280, s31;
	[sflag:s13] =	ssyncadd.s32 $0xFFFFE000  }
0xbb: {  	[tilespmem:s19], [sflag:$0x1] =	stream.indirect.gather [hbm4b:s1+s22], $0x80, s2, s22, $0xb8;
	[tilespmem:$0x15C00] =	vst v63  }
0xbc: {  	_ =	swait.ge [sflag:s14], $0x2000  }
0xbd: {  	[sflag:s14] =	ssyncset.done $0x0  }
0xbe: {  	s2 =	sadd.s32 $0x2C0, s31;
	[sflag:s14] =	ssyncadd.s32 $0xFFFFE000  }
0xbf: {  	[tilespmem:s30], [sflag:$0x2] =	stream.indirect.gather [hbm4b:s1+s22], $0x80, s2, s22, $0xb8;
	[tilespmem:$0x15C00] =	vst v63  }
0xc0: {  	_ =	swait.ge [sflag:s5], $0x2000  }
0xc1: {  	[sflag:s5] =	ssyncset.done $0x0  }
0xc2: {  	s2 =	sadd.s32 $0x300, s31;
	[sflag:s5] =	ssyncadd.s32 $0xFFFFE000  }
0xc3: {  	[tilespmem:s18], [sflag:$0x3] =	stream.indirect.gather [hbm4b:s1+s22], $0x80, s2, s22, $0xb8;
	[tilespmem:$0x15C00] =	vst v63  }
0xc4: {  	_ =	swait.ge [sflag:s15], $0x2000  }
0xc5: {  	[sflag:s15] =	ssyncset.done $0x0  }
0xc6: {  	s2 =	sadd.s32 $0x340, s31;
	[sflag:s15] =	ssyncadd.s32 $0xFFFFE000  }
0xc7: {  	[tilespmem:s20], [sflag:$0x4] =	stream.indirect.gather [hbm4b:s1+s22], $0x80, s2, s22, $0xb8;
	[tilespmem:$0x15C00] =	vst v63  }
0xc8: {  	_ =	swait.ge [sflag:s16], $0x2000  }
0xc9: {  	[sflag:s16] =	ssyncset.done $0x0  }
0xca: {  	s2 =	sadd.s32 $0x380, s31;
	[sflag:s16] =	ssyncadd.s32 $0xFFFFE000  }
0xcb: {  	[tilespmem:s28], [sflag:$0x5] =	stream.indirect.gather [hbm4b:s1+s22], $0x80, s2, s22, $0xb8;
	[tilespmem:$0x15C00] =	vst v63  }
0xcc: {  	_ =	swait.ge [sflag:s17], $0x2000  }
0xcd: {  	[sflag:s17] =	ssyncset.done $0x0  }
0xce: {  	s2 =	sadd.s32 $0x3C0, s31;
	[sflag:s17] =	ssyncadd.s32 $0xFFFFE000  }
0xcf: {  	[tilespmem:s0], [sflag:$0x6] =	stream.indirect.gather [hbm4b:s1+s22], $0x80, s2, s22, $0xb8;
	[tilespmem:$0x15C00] =	vst v63  }
0xd0: {  	_ =	swait.ge [sflag:s21], $0x2000  }
0xd1: {  	[sflag:s21] =	ssyncset.done $0x0  }
0xd2: {  	s2 =	sadd.s32 $0x400, s31;
	[sflag:s21] =	ssyncadd.s32 $0xFFFFE000  }
0xd3: {  	[tilespmem:s6], [sflag:$0x7] =	stream.indirect.gather [hbm4b:s1+s22], $0x80, s2, s22, $0xb8;
	[tilespmem:$0x15C00] =	vst v63  }
0xd4: {  	_ =	swait.ge [sflag:s3], $0x2000  }
0xd5: {  	p0 =	sne.s32 s26, $0x5000;
	s26 =	sadd.s32 $0xA00, s26;
	[sflag:s3] =	ssyncset.done $0x0  }
0xd6: {  	s29 =	sadd.s32 $0x50000, s29;
	s2 =	sadd.s32 $0x440, s31;
	[sflag:s3] =	ssyncadd.s32 $0xFFFFE000  }
0xd7: {  	[tilespmem:s7], [sflag:$0x8] =	stream.indirect.gather [hbm4b:s1+s22], $0x80, s2, s22, $0xb8;
	[tilespmem:$0x15C00] =	vst v63  }
0xd8: {  	s25 =	simm.s32 $0x1C00;
	s19 =	simm.s32 $0x3C00;
	_ =	swait.ge [sflag:s23], $0x2000  }
0xd9: {  	s30 =	simm.s32 $0x5C00;
	s18 =	simm.s32 $0x7C00;
	[sflag:s23] =	ssyncset.done $0x0  }
.Ltmp0:
0xda: {  	s2 =	sadd.s32 $0x480, s31;
	[sflag:s23] =	ssyncadd.s32 $0xFFFFE000;
	(pc) =	sbr.rel @p0 .LBB2_2-.Ltmp0, $4  }
0xdb: {  	[tilespmem:s8], [sflag:$0x9] =	stream.indirect.gather [hbm4b:s1+s22], $0x80, s2, s22, $0xb8;
	[tilespmem:$0x15C00] =	vst v63  }
0xdc: {  	s20 =	simm.s32 $0x9C00;
	s28 =	simm.s32 $0xBC00;
	_ =	swait.ge [sflag:s24], $0x2000  }
0xdd: {  	s0 =	simm.s32 $0xDC00;
	s6 =	simm.s32 $0xFC00;
	[sflag:s24] =	ssyncset.done $0x0  }
0xde: {  	s7 =	simm.s32 $0x11C00;
	s31 =	sadd.s32 $0x4C0, s31;
	[sflag:s24] =	ssyncadd.s32 $0xFFFFE000  }
0xdf: {  	s8 =	simm.s32 $0x13C00;
	s2 =	simm.s32 $0x1  }
0xe0: {  	[tilespmem:s8], [sflag:$0xA] =	stream.indirect.gather [hbm4b:s1+s22], $0x80, s31, s22, $0xb8;
	[tilespmem:$0x15C00] =	vst v63  }
0xe1: {  	_ =	swait.ge [sflag:s2], $0x2000  }
0xe2: {  	[sflag:s2] =	ssyncset.done $0x0  }
0xe3: {  	s29 =	simm.s32 $0x2;
	s26 =	rddreg [dreg:$0x10];
	[sflag:s2] =	ssyncadd.s32 $0xFFFFE000  }
0xe4: {  	[hbm4b:s26+s4] =	stream.linear.scatter [tilespmem:s25], [sflag:$0xB], $0x2000, $0x38;
	[tilespmem:$0x15C00] =	vst v63  }
0xe5: {  	_ =	swait.ge [sflag:s29], $0x2000  }
0xe6: {  	[sflag:s29] =	ssyncset.done $0x0  }
0xe7: {  	s25 =	simm.s32 $0x3;
	s31 =	rddreg [dreg:$0x11];
	[sflag:s29] =	ssyncadd.s32 $0xFFFFE000  }
0xe8: {  	[hbm4b:s31+s4] =	stream.linear.scatter [tilespmem:s19], [sflag:$0xC], $0x2000, $0x38;
	[tilespmem:$0x15C00] =	vst v63  }
0xe9: {  	_ =	swait.ge [sflag:s25], $0x2000  }
0xea: {  	[sflag:s25] =	ssyncset.done $0x0  }
0xeb: {  	s29 =	simm.s32 $0x4;
	s26 =	rddreg [dreg:$0x12];
	[sflag:s25] =	ssyncadd.s32 $0xFFFFE000  }
0xec: {  	[hbm4b:s26+s4] =	stream.linear.scatter [tilespmem:s30], [sflag:$0xD], $0x2000, $0x38;
	[tilespmem:$0x15C00] =	vst v63  }
0xed: {  	_ =	swait.ge [sflag:s29], $0x2000  }
0xee: {  	[sflag:s29] =	ssyncset.done $0x0  }
0xef: {  	s31 =	simm.s32 $0x5;
	s30 =	rddreg [dreg:$0x13];
	[sflag:s29] =	ssyncadd.s32 $0xFFFFE000  }
0xf0: {  	[hbm4b:s30+s4] =	stream.linear.scatter [tilespmem:s18], [sflag:$0xE], $0x2000, $0x38;
	[tilespmem:$0x15C00] =	vst v63  }
0xf1: {  	_ =	swait.ge [sflag:s31], $0x2000  }
0xf2: {  	[sflag:s31] =	ssyncset.done $0x0  }
0xf3: {  	s19 =	simm.s32 $0x6;
	s18 =	rddreg [dreg:$0x14];
	[sflag:s31] =	ssyncadd.s32 $0xFFFFE000  }
0xf4: {  	[hbm4b:s18+s4] =	stream.linear.scatter [tilespmem:s20], [sflag:$0xF], $0x2000, $0x38;
	[tilespmem:$0x15C00] =	vst v63  }
0xf5: {  	_ =	swait.ge [sflag:s19], $0x2000  }
0xf6: {  	[sflag:s19] =	ssyncset.done $0x0  }
0xf7: {  	s20 =	rddreg [dreg:$0x15];
	[sflag:s19] =	ssyncadd.s32 $0xFFFFE000  }
0xf8: {  	[hbm4b:s20+s4] =	stream.linear.scatter [tilespmem:s28], [sflag:$0x10], $0x2000, $0x38;
	[tilespmem:$0x15C00] =	vst v63  }
0xf9: {  	_ =	swait.ge [sflag:s9], $0x2000  }
0xfa: {  	[sflag:s9] =	ssyncset.done $0x0  }
0xfb: {  	s25 =	rddreg [dreg:$0x16];
	[sflag:s9] =	ssyncadd.s32 $0xFFFFE000  }
0xfc: {  	[hbm4b:s25+s4] =	stream.linear.scatter [tilespmem:s0], [sflag:$0x11], $0x2000, $0x38;
	[tilespmem:$0x15C00] =	vst v63  }
0xfd: {  	_ =	swait.ge [sflag:s10], $0x2000  }
0xfe: {  	[sflag:s10] =	ssyncset.done $0x0  }
0xff: {  	s26 =	rddreg [dreg:$0x17];
	[sflag:s10] =	ssyncadd.s32 $0xFFFFE000  }
0x100: {  	[hbm4b:s26+s4] =	stream.linear.scatter [tilespmem:s6], [sflag:$0x12], $0x2000, $0x38;
	[tilespmem:$0x15C00] =	vst v63  }
0x101: {  	_ =	swait.ge [sflag:s11], $0x2000  }
0x102: {  	[sflag:s11] =	ssyncset.done $0x0  }
0x103: {  	s28 =	rddreg [dreg:$0x18];
	[sflag:s11] =	ssyncadd.s32 $0xFFFFE000  }
0x104: {  	[hbm4b:s28+s4] =	stream.linear.scatter [tilespmem:s7], [sflag:$0x13], $0x2000, $0x38;
	[tilespmem:$0x15C00] =	vst v63  }
0x105: {  	_ =	swait.ge [sflag:s12], $0x2000  }
0x106: {  	[sflag:s12] =	ssyncset.done $0x0  }
0x107: {  	s29 =	rddreg [dreg:$0x19];
	[sflag:s12] =	ssyncadd.s32 $0xFFFFE000  }
0x108: {  	[hbm4b:s29+s4] =	stream.linear.scatter [tilespmem:s8], [sflag:$0x14], $0x2000, $0x38;
	[tilespmem:$0x15C00] =	vst v63  }
0x109: {  	_ =	swait.ge [sflag:s13], $0x2000  }
0x10a: {  	[sflag:s13] =	ssyncset.done $0x0  }
0x10b: {  	[sflag:s13] =	ssyncadd.s32 $0xFFFFE000  }
0x10c: {  	_ =	swait.ge [sflag:s14], $0x2000  }
0x10d: {  	[sflag:s14] =	ssyncset.done $0x0  }
0x10e: {  	[sflag:s14] =	ssyncadd.s32 $0xFFFFE000  }
0x10f: {  	_ =	swait.ge [sflag:s5], $0x2000  }
0x110: {  	[sflag:s5] =	ssyncset.done $0x0  }
0x111: {  	[sflag:s5] =	ssyncadd.s32 $0xFFFFE000  }
0x112: {  	_ =	swait.ge [sflag:s15], $0x2000  }
0x113: {  	[sflag:s15] =	ssyncset.done $0x0  }
0x114: {  	[sflag:s15] =	ssyncadd.s32 $0xFFFFE000  }
0x115: {  	_ =	swait.ge [sflag:s16], $0x2000  }
0x116: {  	[sflag:s16] =	ssyncset.done $0x0  }
0x117: {  	[sflag:s16] =	ssyncadd.s32 $0xFFFFE000  }
0x118: {  	_ =	swait.ge [sflag:s17], $0x2000  }
0x119: {  	[sflag:s17] =	ssyncset.done $0x0  }
0x11a: {  	[sflag:s17] =	ssyncadd.s32 $0xFFFFE000  }
0x11b: {  	_ =	swait.ge [sflag:s21], $0x2000  }
0x11c: {  	[sflag:s21] =	ssyncset.done $0x0  }
0x11d: {  	[sflag:s21] =	ssyncadd.s32 $0xFFFFE000  }
0x11e: {  	_ =	swait.ge [sflag:s3], $0x2000  }
0x11f: {  	[sflag:s3] =	ssyncset.done $0x0  }
0x120: {  	[sflag:s3] =	ssyncadd.s32 $0xFFFFE000  }
0x121: {  	_ =	swait.ge [sflag:s23], $0x2000  }
0x122: {  	[sflag:s23] =	ssyncset.done $0x0  }
0x123: {  	[sflag:s23] =	ssyncadd.s32 $0xFFFFE000  }
0x124: {  	_ =	swait.ge [sflag:s24], $0x2000  }
0x125: {  	s30 =	rddreg [dreg:$0x1b]  }
0x126: {  	s31 =	rddreg [dreg:$0x1a];
	s0 =	sadd.s32 $0x1, s30  }
0x127: {  	p0 =	sne.s32 s0, s31  }
.Ltmp1:
0x128: {  	_ = 	snop;
	(pc) =	sbr.rel @p0 .LBB2_1-.Ltmp1, $3  }
0x129: {  	_ =	sdelay $0x1  }
0x12a: {  	[sflag:s24] =	ssyncset.done $0x0  }
0x12b: {  	[sflag:s24] =	ssyncadd.s32 $0xFFFFE000  }
0x12c: {  	_ =	sfence.sel $0x180000  }
0x12d: {  	[bflag:$0x0] =	sbarrier.arrive $0xFFFF  }
0x12e: {  	_ =	strace $0x90000047  }
0x12f: {  	s0 =	stileid.u32;
	[bflag:$0x2] =	sbarrier.arrive $0xFFFF  }
0x130: {  	p0 =	sne.s32 s0, $0x0;
	s0 =	rddreg [dreg:$0x3]  }
0x131: {  	s0 =	sadd.s32 @!p0 $0x100000, s0  }
0x132: {  	[sflag:s0] =	ssyncadd.tile.s32 @!p0 $0x1;
	_ =	shalt  }
.Lfunc_end2:
_tile_overlayer_lowered:
.L_overlay_start_2:
0x133: {  	(tag) =	ssettag $0x2  }
0x134: {  	s0 =	rddreg [dreg:$0x0];
	s2 =	stileid.u32  }
0x135: {  	s1 =	rddreg [dreg:$0x1];
	p0 =	sne.s32 s2, $0x0  }
0x136: {  	s3 =	rddreg [dreg:$0x2];
	[bflag:$0x3] =	sbarrier.arrive $0xFFFF;
	s2 =	simm.s32 @!p0 $0x1C15  }
0x137: {  	[timem:s3], [sflag:s2] =	dma.local @!p0 [hbm:s0], s1  }
0x138: {  	s0 =	simm.s32 @!p0 $0x15  }
0x139: {  	_ =	swait.ge @!p0 [sflag:s0], s1  }
0x13a: {  	s1 =	ssub.s32 @!p0 $0x0, s1;
	[sflag:s0] =	ssyncset.done @!p0 $0x0  }
0x13b: {  	[sflag:s0] =	ssyncadd.s32 @!p0 s1  }
0x13c: {  	[bflag:$0x3] =	sbarrier.arrive $0xFFFF  }
0x13d: {  	_ =	shalt  }

</sc_bundles>
